<compile_context>
chip_gen: v7x
topology: tpu7x:2x2x1
jax: 0.10.2.dev20260603
libtpu: 0.0.44.dev20260713+nightly
codegen_flags: <defaults>
</compile_context>

<pallas_src>
import jax
import jax.numpy as jnp
from jax import lax
from jax.experimental import pallas as pl
from jax.experimental.pallas import tpu as pltpu
from jax.experimental.pallas import tpu_sc as plsc

CONF_THRES = 0.25
IOU_THRES = 0.45
MAX_DET = 300
N_BOXES = 20000
PAD_N = 20480
NSUB = 16
CHUNK = PAD_N // NSUB
L = 16
STEPS = CHUNK // L


def _nms_sc(cx_hbm, cy_hbm, w_hbm, h_hbm, s_hbm, out_hbm,
            x1v, y1v, x2v, y2v, actv, pubv, mrgv, outv, shared):
    cid = lax.axis_index("c")
    sid = lax.axis_index("s")
    base = sid * CHUNK
    first = jnp.logical_and(cid == 0, sid == 0)

    pltpu.sync_copy(cx_hbm, x1v)
    pltpu.sync_copy(cy_hbm, y1v)
    pltpu.sync_copy(w_hbm, x2v)
    pltpu.sync_copy(h_hbm, y2v)
    pltpu.sync_copy(s_hbm.at[pl.ds(base, CHUNK)], actv)

    iota = lax.broadcasted_iota(jnp.int32, (L,), 0)

    def _perm(x, idx):
        return x.at[idx].get(mode="promise_in_bounds")

    def _xmax(x):
        for sh in (8, 4, 2, 1):
            x = jnp.maximum(x, _perm(x, iota ^ sh))
        return x

    def _xmin(x):
        for sh in (8, 4, 2, 1):
            x = jnp.minimum(x, _perm(x, iota ^ sh))
        return x

    def init_xyxy(k, c):
        sl = pl.ds(k * L, L)
        cx = x1v[sl] * 640.0
        cy = y1v[sl] * 640.0
        w = x2v[sl] * 100.0 + 2.0
        h = y2v[sl] * 100.0 + 2.0
        x1v[sl] = cx - w * 0.5
        y1v[sl] = cy - h * 0.5
        x2v[sl] = cx + w * 0.5
        y2v[sl] = cy + h * 0.5
        return c
    lax.fori_loop(0, PAD_N // L, init_xyxy, 0)

    @plsc.parallel_loop(0, STEPS, unroll=4)
    def _init_chunk(k):
        sl = pl.ds(k * L, L)
        s = actv[sl]
        actv[sl] = jnp.where(s > CONF_THRES, s, -1.0)

    bv0 = jnp.full((L,), -3e38, jnp.float32)
    bk0 = jnp.zeros((L,), jnp.int32)

    def fused_sweep(v, j, bx1, by1, bx2, by2, a1):
        @plsc.parallel_loop(0, STEPS, step=4,
                            carry=((bv0, bk0),) * 4, unroll=1)
        def chains(k0, am):
            out = []
            for c in range(4):
                bv2, bk2 = am[c]
                k = k0 + c
                sl = pl.ds(k * L, L)
                gsl = pl.ds(base + k * L, L)
                x1 = x1v[gsl]
                y1 = y1v[gsl]
                x2 = x2v[gsl]
                y2 = y2v[gsl]
                xx1 = jnp.maximum(bx1, x1)
                yy1 = jnp.maximum(by1, y1)
                xx2 = jnp.minimum(bx2, x2)
                yy2 = jnp.minimum(by2, y2)
                inter = (jnp.maximum(xx2 - xx1, 0.0)
                         * jnp.maximum(yy2 - yy1, 0.0))
                a2 = (x2 - x1) * (y2 - y1)
                iou = inter / (a1 + a2 - inter + 1e-7)
                g = base + k * L + iota
                sup = jnp.logical_and(
                    jnp.logical_or(iou > IOU_THRES, g == j), v)
                nact = jnp.where(sup, -1.0, actv[sl])
                actv[sl] = nact
                upd = nact > bv2
                out.append((jnp.where(upd, nact, bv2),
                            jnp.where(upd, k, bk2)))
            return tuple(out)

        def comb(p, q):
            bvp, bkp = p
            bvq, bkq = q
            upd = (bvq > bvp) | ((bvq == bvp) & (bkq < bkp))
            return (jnp.where(upd, bvq, bvp), jnp.where(upd, bkq, bkp))
        (p0, p1, p2, p3) = chains
        return comb(comb(p0, p1), comb(p2, p3))

    vfalse = iota < 0
    j0 = jnp.zeros((L,), jnp.int32)
    c0 = plsc.load_gather(x1v, [j0])
    am_init = fused_sweep(vfalse, j0, c0, c0, c0, c0, c0)

    def round_body(i, am):
        bv, bk = am
        gidx_lane = base + bk * L + iota
        m_loc = _xmax(bv)
        j_loc = _xmin(jnp.where(bv == m_loc, gidx_lane, jnp.int32(2**30)))

        pubv[:] = jnp.where(iota == 0, m_loc,
                  jnp.where(iota == 1, j_loc.astype(jnp.float32), 0.0))
        par = (i & 1) * (NSUB * L)
        pltpu.sync_copy(pubv, shared.at[pl.ds(par + sid * L, L)])
        plsc.subcore_barrier()
        pltpu.sync_copy(shared.at[pl.ds(par, NSUB * L)], mrgv)
        vals = plsc.load_gather(mrgv, [iota * L])
        idxs = plsc.load_gather(mrgv, [iota * L + 1])
        best_m = _xmax(vals)
        j = _xmin(jnp.where(vals == best_m, idxs, 3e38)).astype(jnp.int32)
        v = best_m > 0.0

        bx1 = plsc.load_gather(x1v, [j])
        by1 = plsc.load_gather(y1v, [j])
        bx2 = plsc.load_gather(x2v, [j])
        by2 = plsc.load_gather(y2v, [j])
        a1 = (bx2 - bx1) * (by2 - by1)

        am_next = fused_sweep(v, j, bx1, by1, bx2, by2, a1)

        @pl.when(first)
        def _():
            vf = jnp.where(v, 1.0, 0.0)
            row = jnp.where(iota == 0, bx1 * vf,
                  jnp.where(iota == 1, by1 * vf,
                  jnp.where(iota == 2, bx2 * vf,
                  jnp.where(iota == 3, by2 * vf,
                  jnp.where(iota == 4, best_m * vf, 0.0)))))
            plsc.store_scatter(outv, [i * L + iota], row)
        return am_next

    lax.fori_loop(0, MAX_DET, round_body, am_init)

    @pl.when(first)
    def _():
        pltpu.sync_copy(outv, out_hbm)


@jax.jit
def kernel(boxes, scores):
    pad = PAD_N - N_BOXES
    bp = jnp.pad(boxes, ((0, pad), (0, 0)))
    sp = jnp.pad(scores, (0, pad))
    f32 = jnp.float32
    mesh = plsc.VectorSubcoreMesh(core_axis_name="c", subcore_axis_name="s")
    k = pl.kernel(
        _nms_sc,
        mesh=mesh,
        compiler_params=pltpu.CompilerParams(needs_layout_passes=False),
        out_type=jax.ShapeDtypeStruct((MAX_DET * L,), f32),
        scratch_types=[
            pltpu.VMEM((PAD_N,), f32),
            pltpu.VMEM((PAD_N,), f32),
            pltpu.VMEM((PAD_N,), f32),
            pltpu.VMEM((PAD_N,), f32),
            pltpu.VMEM((CHUNK,), f32),
            pltpu.VMEM((L,), f32),
            pltpu.VMEM((NSUB * L,), f32),
            pltpu.VMEM((MAX_DET * L,), f32),
            pltpu.VMEM_SHARED((2 * NSUB * L,), f32),
        ],
    )
    out = k(bp[:, 0], bp[:, 1], bp[:, 2], bp[:, 3], sp)
    return out.reshape(MAX_DET, L)[:, :5]

# --- scband reference (transcript-rebuilt; emitter-appended) ---
"""Pipeline reference for scband-export-model-44702019617605 (READ-ONLY COPY).

The authoritative reference and input builder live on the scoring server;
editing this copy changes nothing except your own understanding.
"""

import jax, jax.numpy as jnp
import numpy as np

CONF_THRES = 0.25
IOU_THRES = 0.45
MAX_DET = 300
N_BOXES = 20000


def setup_inputs(seed: int = 0) -> dict:
    key = jax.random.key(seed)
    k1, k2 = jax.random.split(key)
    boxes = jax.random.uniform(k1, (N_BOXES, 4), dtype=jnp.float32)
    scores = jax.random.uniform(k2, (N_BOXES,), dtype=jnp.float32)
    return {"boxes": boxes, "scores": scores}


def _xywh2xyxy(raw):
    # interpret raw rand [0,1) as (cx, cy, w, h) on a 640x640 canvas, as in
    # ultralytics ops.non_max_suppression which converts xywh -> xyxy internally
    cx = raw[:, 0] * 640.0
    cy = raw[:, 1] * 640.0
    w = raw[:, 2] * 100.0 + 2.0
    h = raw[:, 3] * 100.0 + 2.0
    return jnp.stack([cx - w * 0.5, cy - h * 0.5, cx + w * 0.5, cy + h * 0.5], axis=1)


def _iou_one_to_many(box, boxes):
    x1 = jnp.maximum(box[0], boxes[:, 0])
    y1 = jnp.maximum(box[1], boxes[:, 1])
    x2 = jnp.minimum(box[2], boxes[:, 2])
    y2 = jnp.minimum(box[3], boxes[:, 3])
    inter = jnp.clip(x2 - x1, 0.0) * jnp.clip(y2 - y1, 0.0)
    a1 = (box[2] - box[0]) * (box[3] - box[1])
    a2 = (boxes[:, 2] - boxes[:, 0]) * (boxes[:, 3] - boxes[:, 1])
    return inter / (a1 + a2 - inter + 1e-7)


def _nms_indices(b, s):
    # greedy class-agnostic NMS: pick highest remaining score, suppress overlaps
    act = jnp.where(s > CONF_THRES, s, -1.0)

    def body(i, carry):
        act, idxs, valid = carry
        j = jnp.argmax(act)
        v = act[j] > 0.0
        box = b[j]
        ious = _iou_one_to_many(box, b)
        sup = (ious > IOU_THRES) & v
        act = jnp.where(sup, -1.0, act)
        act = act.at[j].set(-1.0)
        idxs = idxs.at[i].set(j.astype(jnp.int32))
        valid = valid.at[i].set(v)
        return (act, idxs, valid)

    idxs = jnp.zeros((MAX_DET,), jnp.int32)
    valid = jnp.zeros((MAX_DET,), dtype=bool)
    act, idxs, valid = jax.lax.fori_loop(0, MAX_DET, body, (act, idxs, valid))
    return idxs, valid


def reference(boxes, scores):
    b = _xywh2xyxy(boxes)
    idxs, valid = _nms_indices(b, scores)
    vf = valid.astype(b.dtype)
    det_boxes = jnp.take(b, idxs, axis=0) * vf[:, None]
    det_scores = jnp.take(scores, idxs, axis=0) * vf
    # [max_det, 5]: x1, y1, x2, y2, conf (zero-padded rows for missing dets)
    return jnp.concatenate([det_boxes, det_scores[:, None]], axis=1)

if __name__ == "__main__":
    import jax
    _d = setup_inputs()
    print(jax.jit(kernel)(*tuple(_d.values())))

</pallas_src>

<mosaic_0001>
#map = affine_map<(d0, d1) -> (0)>
module attributes {stable_mosaic.version = 14 : i64} {
  func.func @_nms_sc(%arg0: i32, %arg1: i32, %arg2: memref<20480xf32, #tpu.memory_space<hbm>>, %arg3: memref<20480xf32, #tpu.memory_space<hbm>>, %arg4: memref<20480xf32, #tpu.memory_space<hbm>>, %arg5: memref<20480xf32, #tpu.memory_space<hbm>>, %arg6: memref<20480xf32, #tpu.memory_space<hbm>>, %arg7: memref<4800xf32, #tpu.memory_space<hbm>>, %arg8: memref<20480xf32, #tpu.memory_space<vmem>>, %arg9: memref<20480xf32, #tpu.memory_space<vmem>>, %arg10: memref<20480xf32, #tpu.memory_space<vmem>>, %arg11: memref<20480xf32, #tpu.memory_space<vmem>>, %arg12: memref<1280xf32, #tpu.memory_space<vmem>>, %arg13: memref<16xf32, #tpu.memory_space<vmem>>, %arg14: memref<256xf32, #tpu.memory_space<vmem>>, %arg15: memref<4800xf32, #tpu.memory_space<vmem>>, %arg16: memref<512xf32, #tpu.memory_space<vmem_shared>>) attributes {dimension_semantics = [#tpu.dimension_semantics<core_parallel>, #tpu.dimension_semantics<subcore_parallel>], iteration_bounds = array<i64: 2, 16>, scalar_prefetch = 0 : i64, scratch_operands = 9 : i64, tpu.core_type = #tpu.core_type<sc_vector_subcore>, window_params = [{transform_indices = #map}, {transform_indices = #map}, {transform_indices = #map}, {transform_indices = #map}, {transform_indices = #map}, {transform_indices = #map}]} {
    %mul3A = arith.constant 1280 : i32
    %mul3A_0 = arith.muli %arg1, %mul3A : i32
    %eq3A = arith.constant 0 : i32
    %eq3A_1 = arith.cmpi eq, %arg0, %eq3A : i32
    %eq3A_2 = arith.constant 0 : i32
    %eq3A_3 = arith.cmpi eq, %arg1, %eq3A_2 : i32
    %and3A = arith.andi %eq3A_1, %eq3A_3 : i1
    "tpu.region"() ({
      %run_scoped3A = tpu.sem_alloc : memref<!tpu.dma_semaphore, #tpu.memory_space<semaphore_mem>>
      tpu.enqueue_dma source(%arg2 : memref<20480xf32, #tpu.memory_space<hbm>>) target(%arg8 : memref<20480xf32, #tpu.memory_space<vmem>>) target_semaphore(%run_scoped3A : memref<!tpu.dma_semaphore, #tpu.memory_space<semaphore_mem>>)
      tpu.wait_dma2 semaphore(%run_scoped3A : memref<!tpu.dma_semaphore, #tpu.memory_space<semaphore_mem>>) src(%arg2 : memref<20480xf32, #tpu.memory_space<hbm>>) dst(%arg8 : memref<20480xf32, #tpu.memory_space<vmem>>)
      tpu.yield
    }) : () -> ()
    "tpu.region"() ({
      %run_scoped3A = tpu.sem_alloc : memref<!tpu.dma_semaphore, #tpu.memory_space<semaphore_mem>>
      tpu.enqueue_dma source(%arg3 : memref<20480xf32, #tpu.memory_space<hbm>>) target(%arg9 : memref<20480xf32, #tpu.memory_space<vmem>>) target_semaphore(%run_scoped3A : memref<!tpu.dma_semaphore, #tpu.memory_space<semaphore_mem>>)
      tpu.wait_dma2 semaphore(%run_scoped3A : memref<!tpu.dma_semaphore, #tpu.memory_space<semaphore_mem>>) src(%arg3 : memref<20480xf32, #tpu.memory_space<hbm>>) dst(%arg9 : memref<20480xf32, #tpu.memory_space<vmem>>)
      tpu.yield
    }) : () -> ()
    "tpu.region"() ({
      %run_scoped3A = tpu.sem_alloc : memref<!tpu.dma_semaphore, #tpu.memory_space<semaphore_mem>>
      tpu.enqueue_dma source(%arg4 : memref<20480xf32, #tpu.memory_space<hbm>>) target(%arg10 : memref<20480xf32, #tpu.memory_space<vmem>>) target_semaphore(%run_scoped3A : memref<!tpu.dma_semaphore, #tpu.memory_space<semaphore_mem>>)
      tpu.wait_dma2 semaphore(%run_scoped3A : memref<!tpu.dma_semaphore, #tpu.memory_space<semaphore_mem>>) src(%arg4 : memref<20480xf32, #tpu.memory_space<hbm>>) dst(%arg10 : memref<20480xf32, #tpu.memory_space<vmem>>)
      tpu.yield
    }) : () -> ()
    "tpu.region"() ({
      %run_scoped3A = tpu.sem_alloc : memref<!tpu.dma_semaphore, #tpu.memory_space<semaphore_mem>>
      tpu.enqueue_dma source(%arg5 : memref<20480xf32, #tpu.memory_space<hbm>>) target(%arg11 : memref<20480xf32, #tpu.memory_space<vmem>>) target_semaphore(%run_scoped3A : memref<!tpu.dma_semaphore, #tpu.memory_space<semaphore_mem>>)
      tpu.wait_dma2 semaphore(%run_scoped3A : memref<!tpu.dma_semaphore, #tpu.memory_space<semaphore_mem>>) src(%arg5 : memref<20480xf32, #tpu.memory_space<hbm>>) dst(%arg11 : memref<20480xf32, #tpu.memory_space<vmem>>)
      tpu.yield
    }) : () -> ()
    "tpu.region"() ({
      %run_scoped3A = tpu.sem_alloc : memref<!tpu.dma_semaphore, #tpu.memory_space<semaphore_mem>>
      %dma_start3A = tpu.memref_slice %arg6[%mul3A_0] : memref<20480xf32, #tpu.memory_space<hbm>> -> memref<1280xf32, #tpu.memory_space<hbm>>
      %dma_start3A_47 = tpu.memref_slice %arg6[%mul3A_0] : memref<20480xf32, #tpu.memory_space<hbm>> -> memref<1280xf32, #tpu.memory_space<hbm>>
      tpu.enqueue_dma source(%dma_start3A_47 : memref<1280xf32, #tpu.memory_space<hbm>>) target(%arg12 : memref<1280xf32, #tpu.memory_space<vmem>>) target_semaphore(%run_scoped3A : memref<!tpu.dma_semaphore, #tpu.memory_space<semaphore_mem>>)
      %dma_wait3A = tpu.memref_slice %arg6[%mul3A_0] : memref<20480xf32, #tpu.memory_space<hbm>> -> memref<1280xf32, #tpu.memory_space<hbm>>
      %dma_wait3A_48 = tpu.memref_slice %arg6[%mul3A_0] : memref<20480xf32, #tpu.memory_space<hbm>> -> memref<1280xf32, #tpu.memory_space<hbm>>
      tpu.wait_dma2 semaphore(%run_scoped3A : memref<!tpu.dma_semaphore, #tpu.memory_space<semaphore_mem>>) src(%dma_wait3A_48 : memref<1280xf32, #tpu.memory_space<hbm>>) dst(%arg12 : memref<1280xf32, #tpu.memory_space<vmem>>)
      tpu.yield
    }) : () -> ()
    %iota3A = tpu.iota {dimensions = array<i32: 0>} : vector<16xi32>
    %scan3A = arith.constant 0 : i32
    %scan3A_4 = arith.constant 0 : i32
    %scan3A_5 = arith.constant 1280 : i32
    %scan3A_6 = arith.addi %scan3A_4, %scan3A_5 : i32
    %scan3A_7 = arith.constant 1 : i32
    scf.for %scan3A_47 = %scan3A_4 to %scan3A_6 step %scan3A_7  : i32 {
      %mul3A_48 = arith.constant 16 : i32
      %mul3A_49 = arith.muli %scan3A_47, %mul3A_48 : i32
      %get3A = arith.index_cast %mul3A_49 : i32 to index
      %get3A_50 = tpu.vector_load %arg8[%get3A] {strides = array<i32>} : memref<20480xf32, #tpu.memory_space<vmem>>, vector<16xf32>,
      %mul3A_51 = arith.constant 6.400000e+02 : f32
      %mul3A_52 = vector.broadcast %mul3A_51 : f32 to vector<16xf32>
      %mul3A_53 = arith.mulf %get3A_50, %mul3A_52 : vector<16xf32>
      %get3A_54 = arith.index_cast %mul3A_49 : i32 to index
      %get3A_55 = tpu.vector_load %arg9[%get3A_54] {strides = array<i32>} : memref<20480xf32, #tpu.memory_space<vmem>>, vector<16xf32>,
      %mul3A_56 = arith.constant 6.400000e+02 : f32
      %mul3A_57 = vector.broadcast %mul3A_56 : f32 to vector<16xf32>
      %mul3A_58 = arith.mulf %get3A_55, %mul3A_57 : vector<16xf32>
      %get3A_59 = arith.index_cast %mul3A_49 : i32 to index
      %get3A_60 = tpu.vector_load %arg10[%get3A_59] {strides = array<i32>} : memref<20480xf32, #tpu.memory_space<vmem>>, vector<16xf32>,
      %mul3A_61 = arith.constant 1.000000e+02 : f32
      %mul3A_62 = vector.broadcast %mul3A_61 : f32 to vector<16xf32>
      %mul3A_63 = arith.mulf %get3A_60, %mul3A_62 : vector<16xf32>
      %add3A = arith.constant 2.000000e+00 : f32
      %add3A_64 = vector.broadcast %add3A : f32 to vector<16xf32>
      %add3A_65 = arith.addf %mul3A_63, %add3A_64 : vector<16xf32>
      %get3A_66 = arith.index_cast %mul3A_49 : i32 to index
      %get3A_67 = tpu.vector_load %arg11[%get3A_66] {strides = array<i32>} : memref<20480xf32, #tpu.memory_space<vmem>>, vector<16xf32>,
      %mul3A_68 = arith.constant 1.000000e+02 : f32
      %mul3A_69 = vector.broadcast %mul3A_68 : f32 to vector<16xf32>
      %mul3A_70 = arith.mulf %get3A_67, %mul3A_69 : vector<16xf32>
      %add3A_71 = arith.constant 2.000000e+00 : f32
      %add3A_72 = vector.broadcast %add3A_71 : f32 to vector<16xf32>
      %add3A_73 = arith.addf %mul3A_70, %add3A_72 : vector<16xf32>
      %mul3A_74 = arith.constant 5.000000e-01 : f32
      %mul3A_75 = vector.broadcast %mul3A_74 : f32 to vector<16xf32>
      %mul3A_76 = arith.mulf %add3A_65, %mul3A_75 : vector<16xf32>
      %sub3A = arith.subf %mul3A_53, %mul3A_76 : vector<16xf32>
      %swap3A = arith.index_cast %mul3A_49 : i32 to index
      %swap3A_77 = tpu.vector_load %arg8[%swap3A] {strides = array<i32>} : memref<20480xf32, #tpu.memory_space<vmem>>, vector<16xf32>,
      tpu.vector_store %arg8[%swap3A], %sub3A {strides = array<i32>} : memref<20480xf32, #tpu.memory_space<vmem>>, vector<16xf32>,
      %mul3A_78 = arith.constant 5.000000e-01 : f32
      %mul3A_79 = vector.broadcast %mul3A_78 : f32 to vector<16xf32>
      %mul3A_80 = arith.mulf %add3A_73, %mul3A_79 : vector<16xf32>
      %sub3A_81 = arith.subf %mul3A_58, %mul3A_80 : vector<16xf32>
      %swap3A_82 = arith.index_cast %mul3A_49 : i32 to index
      %swap3A_83 = tpu.vector_load %arg9[%swap3A_82] {strides = array<i32>} : memref<20480xf32, #tpu.memory_space<vmem>>, vector<16xf32>,
      tpu.vector_store %arg9[%swap3A_82], %sub3A_81 {strides = array<i32>} : memref<20480xf32, #tpu.memory_space<vmem>>, vector<16xf32>,
      %mul3A_84 = arith.constant 5.000000e-01 : f32
      %mul3A_85 = vector.broadcast %mul3A_84 : f32 to vector<16xf32>
      %mul3A_86 = arith.mulf %add3A_65, %mul3A_85 : vector<16xf32>
      %add3A_87 = arith.addf %mul3A_53, %mul3A_86 : vector<16xf32>
      %swap3A_88 = arith.index_cast %mul3A_49 : i32 to index
      %swap3A_89 = tpu.vector_load %arg10[%swap3A_88] {strides = array<i32>} : memref<20480xf32, #tpu.memory_space<vmem>>, vector<16xf32>,
      tpu.vector_store %arg10[%swap3A_88], %add3A_87 {strides = array<i32>} : memref<20480xf32, #tpu.memory_space<vmem>>, vector<16xf32>,
      %mul3A_90 = arith.constant 5.000000e-01 : f32
      %mul3A_91 = vector.broadcast %mul3A_90 : f32 to vector<16xf32>
      %mul3A_92 = arith.mulf %add3A_73, %mul3A_91 : vector<16xf32>
      %add3A_93 = arith.addf %mul3A_58, %mul3A_92 : vector<16xf32>
      %swap3A_94 = arith.index_cast %mul3A_49 : i32 to index
      %swap3A_95 = tpu.vector_load %arg11[%swap3A_94] {strides = array<i32>} : memref<20480xf32, #tpu.memory_space<vmem>>, vector<16xf32>,
      tpu.vector_store %arg11[%swap3A_94], %add3A_93 {strides = array<i32>} : memref<20480xf32, #tpu.memory_space<vmem>>, vector<16xf32>,
    }
    %scan3A_8 = arith.constant 1280 : i32
    %parallel_loop3A = arith.constant 0 : i32
    %parallel_loop3A_9 = arith.constant 80 : i32
    %parallel_loop3A_10 = arith.constant 1 : i32
    scf.for %parallel_loop3A_47 = %parallel_loop3A to %parallel_loop3A_9 step %parallel_loop3A_10  : i32 {
      %parallel_loop3A_48 = arith.constant 16 : i32
      %parallel_loop3A_49 = arith.muli %parallel_loop3A_47, %parallel_loop3A_48 : i32
      %parallel_loop3A_50 = arith.index_cast %parallel_loop3A_49 : i32 to index
      %parallel_loop3A_51 = tpu.vector_load %arg12[%parallel_loop3A_50] {strides = array<i32>} : memref<1280xf32, #tpu.memory_space<vmem>>, vector<16xf32>,
      %parallel_loop3A_52 = arith.constant 2.500000e-01 : f32
      %parallel_loop3A_53 = vector.broadcast %parallel_loop3A_52 : f32 to vector<16xf32>
      %parallel_loop3A_54 = arith.cmpf ogt, %parallel_loop3A_51, %parallel_loop3A_53 : vector<16xf32>
      %parallel_loop3A_55 = arith.constant -1.000000e+00 : f32
      %parallel_loop3A_56 = vector.broadcast %parallel_loop3A_55 : f32 to vector<16xf32>
      %parallel_loop3A_57 = arith.select %parallel_loop3A_54, %parallel_loop3A_51, %parallel_loop3A_56 : vector<16xi1>, vector<16xf32>
      %parallel_loop3A_58 = arith.index_cast %parallel_loop3A_49 : i32 to index
      %parallel_loop3A_59 = tpu.vector_load %arg12[%parallel_loop3A_58] {strides = array<i32>} : memref<1280xf32, #tpu.memory_space<vmem>>, vector<16xf32>,
      tpu.vector_store %arg12[%parallel_loop3A_58], %parallel_loop3A_57 {strides = array<i32>} : memref<1280xf32, #tpu.memory_space<vmem>>, vector<16xf32>,
    } {sc.loop_unroll_factor = 4 : i64, sc.parallel_access}
    %broadcast_in_dim3A = arith.constant -3.000000e+38 : f32
    %broadcast_in_dim3A_11 = vector.broadcast %broadcast_in_dim3A : f32 to vector<16xf32>
    %broadcast_in_dim3A_12 = arith.constant 0 : i32
    %broadcast_in_dim3A_13 = vector.broadcast %broadcast_in_dim3A_12 : i32 to vector<16xi32>
    %lt3A = arith.constant 0 : i32
    %lt3A_14 = vector.broadcast %lt3A : i32 to vector<16xi32>
    %lt3A_15 = arith.cmpi slt, %iota3A, %lt3A_14 : vector<16xi32>
    %broadcast_in_dim3A_16 = arith.constant 0 : i32
    %broadcast_in_dim3A_17 = vector.broadcast %broadcast_in_dim3A_16 : i32 to vector<16xi32>
    %gather3A = tpu.vector_load_idx %arg8[%broadcast_in_dim3A_17] : memref<20480xf32, #tpu.memory_space<vmem>>[vector<16xi32>], vector<16xf32>,
    %parallel_loop3A_18 = arith.constant 0 : i32
    %parallel_loop3A_19 = arith.constant 80 : i32
    %parallel_loop3A_20 = arith.constant 4 : i32
    %parallel_loop3A_21:8 = scf.for %parallel_loop3A_47 = %parallel_loop3A_18 to %parallel_loop3A_19 step %parallel_loop3A_20 iter_args(%parallel_loop3A_48 = %broadcast_in_dim3A_11, %parallel_loop3A_49 = %broadcast_in_dim3A_13, %parallel_loop3A_50 = %broadcast_in_dim3A_11, %parallel_loop3A_51 = %broadcast_in_dim3A_13, %parallel_loop3A_52 = %broadcast_in_dim3A_11, %parallel_loop3A_53 = %broadcast_in_dim3A_13, %parallel_loop3A_54 = %broadcast_in_dim3A_11, %parallel_loop3A_55 = %broadcast_in_dim3A_13) -> (vector<16xf32>, vector<16xi32>, vector<16xf32>, vector<16xi32>, vector<16xf32>, vector<16xi32>, vector<16xf32>, vector<16xi32>)  : i32 {
      %parallel_loop3A_56 = arith.constant 0 : i32
      %parallel_loop3A_57 = arith.addi %parallel_loop3A_47, %parallel_loop3A_56 : i32
      %parallel_loop3A_58 = arith.constant 16 : i32
      %parallel_loop3A_59 = arith.muli %parallel_loop3A_57, %parallel_loop3A_58 : i32
      %parallel_loop3A_60 = arith.constant 16 : i32
      %parallel_loop3A_61 = arith.muli %parallel_loop3A_57, %parallel_loop3A_60 : i32
      %parallel_loop3A_62 = arith.addi %mul3A_0, %parallel_loop3A_61 : i32
      %parallel_loop3A_63 = arith.index_cast %parallel_loop3A_62 : i32 to index
      %parallel_loop3A_64 = tpu.vector_load %arg8[%parallel_loop3A_63] {strides = array<i32>} : memref<20480xf32, #tpu.memory_space<vmem>>, vector<16xf32>,
      %parallel_loop3A_65 = arith.index_cast %parallel_loop3A_62 : i32 to index
      %parallel_loop3A_66 = tpu.vector_load %arg9[%parallel_loop3A_65] {strides = array<i32>} : memref<20480xf32, #tpu.memory_space<vmem>>, vector<16xf32>,
      %parallel_loop3A_67 = arith.index_cast %parallel_loop3A_62 : i32 to index
      %parallel_loop3A_68 = tpu.vector_load %arg10[%parallel_loop3A_67] {strides = array<i32>} : memref<20480xf32, #tpu.memory_space<vmem>>, vector<16xf32>,
      %parallel_loop3A_69 = arith.index_cast %parallel_loop3A_62 : i32 to index
      %parallel_loop3A_70 = tpu.vector_load %arg11[%parallel_loop3A_69] {strides = array<i32>} : memref<20480xf32, #tpu.memory_space<vmem>>, vector<16xf32>,
      %parallel_loop3A_71 = arith.maximumf %gather3A, %parallel_loop3A_64 : vector<16xf32>
      %parallel_loop3A_72 = arith.maximumf %gather3A, %parallel_loop3A_66 : vector<16xf32>
      %parallel_loop3A_73 = arith.minimumf %gather3A, %parallel_loop3A_68 : vector<16xf32>
      %parallel_loop3A_74 = arith.minimumf %gather3A, %parallel_loop3A_70 : vector<16xf32>
      %parallel_loop3A_75 = arith.subf %parallel_loop3A_73, %parallel_loop3A_71 : vector<16xf32>
      %parallel_loop3A_76 = arith.constant 0.000000e+00 : f32
      %parallel_loop3A_77 = vector.broadcast %parallel_loop3A_76 : f32 to vector<16xf32>
      %parallel_loop3A_78 = arith.maximumf %parallel_loop3A_75, %parallel_loop3A_77 : vector<16xf32>
      %parallel_loop3A_79 = arith.subf %parallel_loop3A_74, %parallel_loop3A_72 : vector<16xf32>
      %parallel_loop3A_80 = arith.constant 0.000000e+00 : f32
      %parallel_loop3A_81 = vector.broadcast %parallel_loop3A_80 : f32 to vector<16xf32>
      %parallel_loop3A_82 = arith.maximumf %parallel_loop3A_79, %parallel_loop3A_81 : vector<16xf32>
      %parallel_loop3A_83 = arith.mulf %parallel_loop3A_78, %parallel_loop3A_82 : vector<16xf32>
      %parallel_loop3A_84 = arith.subf %parallel_loop3A_68, %parallel_loop3A_64 : vector<16xf32>
      %parallel_loop3A_85 = arith.subf %parallel_loop3A_70, %parallel_loop3A_66 : vector<16xf32>
      %parallel_loop3A_86 = arith.mulf %parallel_loop3A_84, %parallel_loop3A_85 : vector<16xf32>
      %parallel_loop3A_87 = arith.addf %gather3A, %parallel_loop3A_86 : vector<16xf32>
      %parallel_loop3A_88 = arith.subf %parallel_loop3A_87, %parallel_loop3A_83 : vector<16xf32>
      %parallel_loop3A_89 = arith.constant 1.000000e-07 : f32
      %parallel_loop3A_90 = vector.broadcast %parallel_loop3A_89 : f32 to vector<16xf32>
      %parallel_loop3A_91 = arith.addf %parallel_loop3A_88, %parallel_loop3A_90 : vector<16xf32>
      %parallel_loop3A_92 = arith.divf %parallel_loop3A_83, %parallel_loop3A_91 : vector<16xf32>
      %parallel_loop3A_93 = arith.constant 16 : i32
      %parallel_loop3A_94 = arith.muli %parallel_loop3A_57, %parallel_loop3A_93 : i32
      %parallel_loop3A_95 = arith.addi %mul3A_0, %parallel_loop3A_94 : i32
      %parallel_loop3A_96 = vector.broadcast %parallel_loop3A_95 : i32 to vector<16xi32>
      %parallel_loop3A_97 = arith.addi %parallel_loop3A_96, %iota3A : vector<16xi32>
      %parallel_loop3A_98 = arith.constant 4.500000e-01 : f32
      %parallel_loop3A_99 = vector.broadcast %parallel_loop3A_98 : f32 to vector<16xf32>
      %parallel_loop3A_100 = arith.cmpf ogt, %parallel_loop3A_92, %parallel_loop3A_99 : vector<16xf32>
      %parallel_loop3A_101 = arith.cmpi eq, %parallel_loop3A_97, %broadcast_in_dim3A_17 : vector<16xi32>
      %parallel_loop3A_102 = arith.ori %parallel_loop3A_100, %parallel_loop3A_101 : vector<16xi1>
      %parallel_loop3A_103 = arith.andi %parallel_loop3A_102, %lt3A_15 : vector<16xi1>
      %parallel_loop3A_104 = arith.index_cast %parallel_loop3A_59 : i32 to index
      %parallel_loop3A_105 = tpu.vector_load %arg12[%parallel_loop3A_104] {strides = array<i32>} : memref<1280xf32, #tpu.memory_space<vmem>>, vector<16xf32>,
      %parallel_loop3A_106 = arith.constant -1.000000e+00 : f32
      %parallel_loop3A_107 = vector.broadcast %parallel_loop3A_106 : f32 to vector<16xf32>
      %parallel_loop3A_108 = arith.select %parallel_loop3A_103, %parallel_loop3A_107, %parallel_loop3A_105 : vector<16xi1>, vector<16xf32>
      %parallel_loop3A_109 = arith.index_cast %parallel_loop3A_59 : i32 to index
      %parallel_loop3A_110 = tpu.vector_load %arg12[%parallel_loop3A_109] {strides = array<i32>} : memref<1280xf32, #tpu.memory_space<vmem>>, vector<16xf32>,
      tpu.vector_store %arg12[%parallel_loop3A_109], %parallel_loop3A_108 {strides = array<i32>} : memref<1280xf32, #tpu.memory_space<vmem>>, vector<16xf32>,
      %parallel_loop3A_111 = arith.cmpf ogt, %parallel_loop3A_108, %parallel_loop3A_48 : vector<16xf32>
      %parallel_loop3A_112 = arith.select %parallel_loop3A_111, %parallel_loop3A_108, %parallel_loop3A_48 : vector<16xi1>, vector<16xf32>
      %parallel_loop3A_113 = vector.broadcast %parallel_loop3A_57 : i32 to vector<16xi32>
      %parallel_loop3A_114 = arith.select %parallel_loop3A_111, %parallel_loop3A_113, %parallel_loop3A_49 : vector<16xi1>, vector<16xi32>
      %parallel_loop3A_115 = arith.constant 1 : i32
      %parallel_loop3A_116 = arith.addi %parallel_loop3A_47, %parallel_loop3A_115 : i32
      %parallel_loop3A_117 = arith.constant 16 : i32
      %parallel_loop3A_118 = arith.muli %parallel_loop3A_116, %parallel_loop3A_117 : i32
      %parallel_loop3A_119 = arith.constant 16 : i32
      %parallel_loop3A_120 = arith.muli %parallel_loop3A_116, %parallel_loop3A_119 : i32
      %parallel_loop3A_121 = arith.addi %mul3A_0, %parallel_loop3A_120 : i32
      %parallel_loop3A_122 = arith.index_cast %parallel_loop3A_121 : i32 to index
      %parallel_loop3A_123 = tpu.vector_load %arg8[%parallel_loop3A_122] {strides = array<i32>} : memref<20480xf32, #tpu.memory_space<vmem>>, vector<16xf32>,
      %parallel_loop3A_124 = arith.index_cast %parallel_loop3A_121 : i32 to index
      %parallel_loop3A_125 = tpu.vector_load %arg9[%parallel_loop3A_124] {strides = array<i32>} : memref<20480xf32, #tpu.memory_space<vmem>>, vector<16xf32>,
      %parallel_loop3A_126 = arith.index_cast %parallel_loop3A_121 : i32 to index
      %parallel_loop3A_127 = tpu.vector_load %arg10[%parallel_loop3A_126] {strides = array<i32>} : memref<20480xf32, #tpu.memory_space<vmem>>, vector<16xf32>,
      %parallel_loop3A_128 = arith.index_cast %parallel_loop3A_121 : i32 to index
      %parallel_loop3A_129 = tpu.vector_load %arg11[%parallel_loop3A_128] {strides = array<i32>} : memref<20480xf32, #tpu.memory_space<vmem>>, vector<16xf32>,
      %parallel_loop3A_130 = arith.maximumf %gather3A, %parallel_loop3A_123 : vector<16xf32>
      %parallel_loop3A_131 = arith.maximumf %gather3A, %parallel_loop3A_125 : vector<16xf32>
      %parallel_loop3A_132 = arith.minimumf %gather3A, %parallel_loop3A_127 : vector<16xf32>
      %parallel_loop3A_133 = arith.minimumf %gather3A, %parallel_loop3A_129 : vector<16xf32>
      %parallel_loop3A_134 = arith.subf %parallel_loop3A_132, %parallel_loop3A_130 : vector<16xf32>
      %parallel_loop3A_135 = arith.constant 0.000000e+00 : f32
      %parallel_loop3A_136 = vector.broadcast %parallel_loop3A_135 : f32 to vector<16xf32>
      %parallel_loop3A_137 = arith.maximumf %parallel_loop3A_134, %parallel_loop3A_136 : vector<16xf32>
      %parallel_loop3A_138 = arith.subf %parallel_loop3A_133, %parallel_loop3A_131 : vector<16xf32>
      %parallel_loop3A_139 = arith.constant 0.000000e+00 : f32
      %parallel_loop3A_140 = vector.broadcast %parallel_loop3A_139 : f32 to vector<16xf32>
      %parallel_loop3A_141 = arith.maximumf %parallel_loop3A_138, %parallel_loop3A_140 : vector<16xf32>
      %parallel_loop3A_142 = arith.mulf %parallel_loop3A_137, %parallel_loop3A_141 : vector<16xf32>
      %parallel_loop3A_143 = arith.subf %parallel_loop3A_127, %parallel_loop3A_123 : vector<16xf32>
      %parallel_loop3A_144 = arith.subf %parallel_loop3A_129, %parallel_loop3A_125 : vector<16xf32>
      %parallel_loop3A_145 = arith.mulf %parallel_loop3A_143, %parallel_loop3A_144 : vector<16xf32>
      %parallel_loop3A_146 = arith.addf %gather3A, %parallel_loop3A_145 : vector<16xf32>
      %parallel_loop3A_147 = arith.subf %parallel_loop3A_146, %parallel_loop3A_142 : vector<16xf32>
      %parallel_loop3A_148 = arith.constant 1.000000e-07 : f32
      %parallel_loop3A_149 = vector.broadcast %parallel_loop3A_148 : f32 to vector<16xf32>
      %parallel_loop3A_150 = arith.addf %parallel_loop3A_147, %parallel_loop3A_149 : vector<16xf32>
      %parallel_loop3A_151 = arith.divf %parallel_loop3A_142, %parallel_loop3A_150 : vector<16xf32>
      %parallel_loop3A_152 = arith.constant 16 : i32
      %parallel_loop3A_153 = arith.muli %parallel_loop3A_116, %parallel_loop3A_152 : i32
      %parallel_loop3A_154 = arith.addi %mul3A_0, %parallel_loop3A_153 : i32
      %parallel_loop3A_155 = vector.broadcast %parallel_loop3A_154 : i32 to vector<16xi32>
      %parallel_loop3A_156 = arith.addi %parallel_loop3A_155, %iota3A : vector<16xi32>
      %parallel_loop3A_157 = arith.constant 4.500000e-01 : f32
      %parallel_loop3A_158 = vector.broadcast %parallel_loop3A_157 : f32 to vector<16xf32>
      %parallel_loop3A_159 = arith.cmpf ogt, %parallel_loop3A_151, %parallel_loop3A_158 : vector<16xf32>
      %parallel_loop3A_160 = arith.cmpi eq, %parallel_loop3A_156, %broadcast_in_dim3A_17 : vector<16xi32>
      %parallel_loop3A_161 = arith.ori %parallel_loop3A_159, %parallel_loop3A_160 : vector<16xi1>
      %parallel_loop3A_162 = arith.andi %parallel_loop3A_161, %lt3A_15 : vector<16xi1>
      %parallel_loop3A_163 = arith.index_cast %parallel_loop3A_118 : i32 to index
      %parallel_loop3A_164 = tpu.vector_load %arg12[%parallel_loop3A_163] {strides = array<i32>} : memref<1280xf32, #tpu.memory_space<vmem>>, vector<16xf32>,
      %parallel_loop3A_165 = arith.constant -1.000000e+00 : f32
      %parallel_loop3A_166 = vector.broadcast %parallel_loop3A_165 : f32 to vector<16xf32>
      %parallel_loop3A_167 = arith.select %parallel_loop3A_162, %parallel_loop3A_166, %parallel_loop3A_164 : vector<16xi1>, vector<16xf32>
      %parallel_loop3A_168 = arith.index_cast %parallel_loop3A_118 : i32 to index
      %parallel_loop3A_169 = tpu.vector_load %arg12[%parallel_loop3A_168] {strides = array<i32>} : memref<1280xf32, #tpu.memory_space<vmem>>, vector<16xf32>,
      tpu.vector_store %arg12[%parallel_loop3A_168], %parallel_loop3A_167 {strides = array<i32>} : memref<1280xf32, #tpu.memory_space<vmem>>, vector<16xf32>,
      %parallel_loop3A_170 = arith.cmpf ogt, %parallel_loop3A_167, %parallel_loop3A_50 : vector<16xf32>
      %parallel_loop3A_171 = arith.select %parallel_loop3A_170, %parallel_loop3A_167, %parallel_loop3A_50 : vector<16xi1>, vector<16xf32>
      %parallel_loop3A_172 = vector.broadcast %parallel_loop3A_116 : i32 to vector<16xi32>
      %parallel_loop3A_173 = arith.select %parallel_loop3A_170, %parallel_loop3A_172, %parallel_loop3A_51 : vector<16xi1>, vector<16xi32>
      %parallel_loop3A_174 = arith.constant 2 : i32
      %parallel_loop3A_175 = arith.addi %parallel_loop3A_47, %parallel_loop3A_174 : i32
      %parallel_loop3A_176 = arith.constant 16 : i32
      %parallel_loop3A_177 = arith.muli %parallel_loop3A_175, %parallel_loop3A_176 : i32
      %parallel_loop3A_178 = arith.constant 16 : i32
      %parallel_loop3A_179 = arith.muli %parallel_loop3A_175, %parallel_loop3A_178 : i32
      %parallel_loop3A_180 = arith.addi %mul3A_0, %parallel_loop3A_179 : i32
      %parallel_loop3A_181 = arith.index_cast %parallel_loop3A_180 : i32 to index
      %parallel_loop3A_182 = tpu.vector_load %arg8[%parallel_loop3A_181] {strides = array<i32>} : memref<20480xf32, #tpu.memory_space<vmem>>, vector<16xf32>,
      %parallel_loop3A_183 = arith.index_cast %parallel_loop3A_180 : i32 to index
      %parallel_loop3A_184 = tpu.vector_load %arg9[%parallel_loop3A_183] {strides = array<i32>} : memref<20480xf32, #tpu.memory_space<vmem>>, vector<16xf32>,
      %parallel_loop3A_185 = arith.index_cast %parallel_loop3A_180 : i32 to index
      %parallel_loop3A_186 = tpu.vector_load %arg10[%parallel_loop3A_185] {strides = array<i32>} : memref<20480xf32, #tpu.memory_space<vmem>>, vector<16xf32>,
      %parallel_loop3A_187 = arith.index_cast %parallel_loop3A_180 : i32 to index
      %parallel_loop3A_188 = tpu.vector_load %arg11[%parallel_loop3A_187] {strides = array<i32>} : memref<20480xf32, #tpu.memory_space<vmem>>, vector<16xf32>,
      %parallel_loop3A_189 = arith.maximumf %gather3A, %parallel_loop3A_182 : vector<16xf32>
      %parallel_loop3A_190 = arith.maximumf %gather3A, %parallel_loop3A_184 : vector<16xf32>
      %parallel_loop3A_191 = arith.minimumf %gather3A, %parallel_loop3A_186 : vector<16xf32>
      %parallel_loop3A_192 = arith.minimumf %gather3A, %parallel_loop3A_188 : vector<16xf32>
      %parallel_loop3A_193 = arith.subf %parallel_loop3A_191, %parallel_loop3A_189 : vector<16xf32>
      %parallel_loop3A_194 = arith.constant 0.000000e+00 : f32
      %parallel_loop3A_195 = vector.broadcast %parallel_loop3A_194 : f32 to vector<16xf32>
      %parallel_loop3A_196 = arith.maximumf %parallel_loop3A_193, %parallel_loop3A_195 : vector<16xf32>
      %parallel_loop3A_197 = arith.subf %parallel_loop3A_192, %parallel_loop3A_190 : vector<16xf32>
      %parallel_loop3A_198 = arith.constant 0.000000e+00 : f32
      %parallel_loop3A_199 = vector.broadcast %parallel_loop3A_198 : f32 to vector<16xf32>
      %parallel_loop3A_200 = arith.maximumf %parallel_loop3A_197, %parallel_loop3A_199 : vector<16xf32>
      %parallel_loop3A_201 = arith.mulf %parallel_loop3A_196, %parallel_loop3A_200 : vector<16xf32>
      %parallel_loop3A_202 = arith.subf %parallel_loop3A_186, %parallel_loop3A_182 : vector<16xf32>
      %parallel_loop3A_203 = arith.subf %parallel_loop3A_188, %parallel_loop3A_184 : vector<16xf32>
      %parallel_loop3A_204 = arith.mulf %parallel_loop3A_202, %parallel_loop3A_203 : vector<16xf32>
      %parallel_loop3A_205 = arith.addf %gather3A, %parallel_loop3A_204 : vector<16xf32>
      %parallel_loop3A_206 = arith.subf %parallel_loop3A_205, %parallel_loop3A_201 : vector<16xf32>
      %parallel_loop3A_207 = arith.constant 1.000000e-07 : f32
      %parallel_loop3A_208 = vector.broadcast %parallel_loop3A_207 : f32 to vector<16xf32>
      %parallel_loop3A_209 = arith.addf %parallel_loop3A_206, %parallel_loop3A_208 : vector<16xf32>
      %parallel_loop3A_210 = arith.divf %parallel_loop3A_201, %parallel_loop3A_209 : vector<16xf32>
      %parallel_loop3A_211 = arith.constant 16 : i32
      %parallel_loop3A_212 = arith.muli %parallel_loop3A_175, %parallel_loop3A_211 : i32
      %parallel_loop3A_213 = arith.addi %mul3A_0, %parallel_loop3A_212 : i32
      %parallel_loop3A_214 = vector.broadcast %parallel_loop3A_213 : i32 to vector<16xi32>
      %parallel_loop3A_215 = arith.addi %parallel_loop3A_214, %iota3A : vector<16xi32>
      %parallel_loop3A_216 = arith.constant 4.500000e-01 : f32
      %parallel_loop3A_217 = vector.broadcast %parallel_loop3A_216 : f32 to vector<16xf32>
      %parallel_loop3A_218 = arith.cmpf ogt, %parallel_loop3A_210, %parallel_loop3A_217 : vector<16xf32>
      %parallel_loop3A_219 = arith.cmpi eq, %parallel_loop3A_215, %broadcast_in_dim3A_17 : vector<16xi32>
      %parallel_loop3A_220 = arith.ori %parallel_loop3A_218, %parallel_loop3A_219 : vector<16xi1>
      %parallel_loop3A_221 = arith.andi %parallel_loop3A_220, %lt3A_15 : vector<16xi1>
      %parallel_loop3A_222 = arith.index_cast %parallel_loop3A_177 : i32 to index
      %parallel_loop3A_223 = tpu.vector_load %arg12[%parallel_loop3A_222] {strides = array<i32>} : memref<1280xf32, #tpu.memory_space<vmem>>, vector<16xf32>,
      %parallel_loop3A_224 = arith.constant -1.000000e+00 : f32
      %parallel_loop3A_225 = vector.broadcast %parallel_loop3A_224 : f32 to vector<16xf32>
      %parallel_loop3A_226 = arith.select %parallel_loop3A_221, %parallel_loop3A_225, %parallel_loop3A_223 : vector<16xi1>, vector<16xf32>
      %parallel_loop3A_227 = arith.index_cast %parallel_loop3A_177 : i32 to index
      %parallel_loop3A_228 = tpu.vector_load %arg12[%parallel_loop3A_227] {strides = array<i32>} : memref<1280xf32, #tpu.memory_space<vmem>>, vector<16xf32>,
      tpu.vector_store %arg12[%parallel_loop3A_227], %parallel_loop3A_226 {strides = array<i32>} : memref<1280xf32, #tpu.memory_space<vmem>>, vector<16xf32>,
      %parallel_loop3A_229 = arith.cmpf ogt, %parallel_loop3A_226, %parallel_loop3A_52 : vector<16xf32>
      %parallel_loop3A_230 = arith.select %parallel_loop3A_229, %parallel_loop3A_226, %parallel_loop3A_52 : vector<16xi1>, vector<16xf32>
      %parallel_loop3A_231 = vector.broadcast %parallel_loop3A_175 : i32 to vector<16xi32>
      %parallel_loop3A_232 = arith.select %parallel_loop3A_229, %parallel_loop3A_231, %parallel_loop3A_53 : vector<16xi1>, vector<16xi32>
      %parallel_loop3A_233 = arith.constant 3 : i32
      %parallel_loop3A_234 = arith.addi %parallel_loop3A_47, %parallel_loop3A_233 : i32
      %parallel_loop3A_235 = arith.constant 16 : i32
      %parallel_loop3A_236 = arith.muli %parallel_loop3A_234, %parallel_loop3A_235 : i32
      %parallel_loop3A_237 = arith.constant 16 : i32
      %parallel_loop3A_238 = arith.muli %parallel_loop3A_234, %parallel_loop3A_237 : i32
      %parallel_loop3A_239 = arith.addi %mul3A_0, %parallel_loop3A_238 : i32
      %parallel_loop3A_240 = arith.index_cast %parallel_loop3A_239 : i32 to index
      %parallel_loop3A_241 = tpu.vector_load %arg8[%parallel_loop3A_240] {strides = array<i32>} : memref<20480xf32, #tpu.memory_space<vmem>>, vector<16xf32>,
      %parallel_loop3A_242 = arith.index_cast %parallel_loop3A_239 : i32 to index
      %parallel_loop3A_243 = tpu.vector_load %arg9[%parallel_loop3A_242] {strides = array<i32>} : memref<20480xf32, #tpu.memory_space<vmem>>, vector<16xf32>,
      %parallel_loop3A_244 = arith.index_cast %parallel_loop3A_239 : i32 to index
      %parallel_loop3A_245 = tpu.vector_load %arg10[%parallel_loop3A_244] {strides = array<i32>} : memref<20480xf32, #tpu.memory_space<vmem>>, vector<16xf32>,
      %parallel_loop3A_246 = arith.index_cast %parallel_loop3A_239 : i32 to index
      %parallel_loop3A_247 = tpu.vector_load %arg11[%parallel_loop3A_246] {strides = array<i32>} : memref<20480xf32, #tpu.memory_space<vmem>>, vector<16xf32>,
      %parallel_loop3A_248 = arith.maximumf %gather3A, %parallel_loop3A_241 : vector<16xf32>
      %parallel_loop3A_249 = arith.maximumf %gather3A, %parallel_loop3A_243 : vector<16xf32>
      %parallel_loop3A_250 = arith.minimumf %gather3A, %parallel_loop3A_245 : vector<16xf32>
      %parallel_loop3A_251 = arith.minimumf %gather3A, %parallel_loop3A_247 : vector<16xf32>
      %parallel_loop3A_252 = arith.subf %parallel_loop3A_250, %parallel_loop3A_248 : vector<16xf32>
      %parallel_loop3A_253 = arith.constant 0.000000e+00 : f32
      %parallel_loop3A_254 = vector.broadcast %parallel_loop3A_253 : f32 to vector<16xf32>
      %parallel_loop3A_255 = arith.maximumf %parallel_loop3A_252, %parallel_loop3A_254 : vector<16xf32>
      %parallel_loop3A_256 = arith.subf %parallel_loop3A_251, %parallel_loop3A_249 : vector<16xf32>
      %parallel_loop3A_257 = arith.constant 0.000000e+00 : f32
      %parallel_loop3A_258 = vector.broadcast %parallel_loop3A_257 : f32 to vector<16xf32>
      %parallel_loop3A_259 = arith.maximumf %parallel_loop3A_256, %parallel_loop3A_258 : vector<16xf32>
      %parallel_loop3A_260 = arith.mulf %parallel_loop3A_255, %parallel_loop3A_259 : vector<16xf32>
      %parallel_loop3A_261 = arith.subf %parallel_loop3A_245, %parallel_loop3A_241 : vector<16xf32>
      %parallel_loop3A_262 = arith.subf %parallel_loop3A_247, %parallel_loop3A_243 : vector<16xf32>
      %parallel_loop3A_263 = arith.mulf %parallel_loop3A_261, %parallel_loop3A_262 : vector<16xf32>
      %parallel_loop3A_264 = arith.addf %gather3A, %parallel_loop3A_263 : vector<16xf32>
      %parallel_loop3A_265 = arith.subf %parallel_loop3A_264, %parallel_loop3A_260 : vector<16xf32>
      %parallel_loop3A_266 = arith.constant 1.000000e-07 : f32
      %parallel_loop3A_267 = vector.broadcast %parallel_loop3A_266 : f32 to vector<16xf32>
      %parallel_loop3A_268 = arith.addf %parallel_loop3A_265, %parallel_loop3A_267 : vector<16xf32>
      %parallel_loop3A_269 = arith.divf %parallel_loop3A_260, %parallel_loop3A_268 : vector<16xf32>
      %parallel_loop3A_270 = arith.constant 16 : i32
      %parallel_loop3A_271 = arith.muli %parallel_loop3A_234, %parallel_loop3A_270 : i32
      %parallel_loop3A_272 = arith.addi %mul3A_0, %parallel_loop3A_271 : i32
      %parallel_loop3A_273 = vector.broadcast %parallel_loop3A_272 : i32 to vector<16xi32>
      %parallel_loop3A_274 = arith.addi %parallel_loop3A_273, %iota3A : vector<16xi32>
      %parallel_loop3A_275 = arith.constant 4.500000e-01 : f32
      %parallel_loop3A_276 = vector.broadcast %parallel_loop3A_275 : f32 to vector<16xf32>
      %parallel_loop3A_277 = arith.cmpf ogt, %parallel_loop3A_269, %parallel_loop3A_276 : vector<16xf32>
      %parallel_loop3A_278 = arith.cmpi eq, %parallel_loop3A_274, %broadcast_in_dim3A_17 : vector<16xi32>
      %parallel_loop3A_279 = arith.ori %parallel_loop3A_277, %parallel_loop3A_278 : vector<16xi1>
      %parallel_loop3A_280 = arith.andi %parallel_loop3A_279, %lt3A_15 : vector<16xi1>
      %parallel_loop3A_281 = arith.index_cast %parallel_loop3A_236 : i32 to index
      %parallel_loop3A_282 = tpu.vector_load %arg12[%parallel_loop3A_281] {strides = array<i32>} : memref<1280xf32, #tpu.memory_space<vmem>>, vector<16xf32>,
      %parallel_loop3A_283 = arith.constant -1.000000e+00 : f32
      %parallel_loop3A_284 = vector.broadcast %parallel_loop3A_283 : f32 to vector<16xf32>
      %parallel_loop3A_285 = arith.select %parallel_loop3A_280, %parallel_loop3A_284, %parallel_loop3A_282 : vector<16xi1>, vector<16xf32>
      %parallel_loop3A_286 = arith.index_cast %parallel_loop3A_236 : i32 to index
      %parallel_loop3A_287 = tpu.vector_load %arg12[%parallel_loop3A_286] {strides = array<i32>} : memref<1280xf32, #tpu.memory_space<vmem>>, vector<16xf32>,
      tpu.vector_store %arg12[%parallel_loop3A_286], %parallel_loop3A_285 {strides = array<i32>} : memref<1280xf32, #tpu.memory_space<vmem>>, vector<16xf32>,
      %parallel_loop3A_288 = arith.cmpf ogt, %parallel_loop3A_285, %parallel_loop3A_54 : vector<16xf32>
      %parallel_loop3A_289 = arith.select %parallel_loop3A_288, %parallel_loop3A_285, %parallel_loop3A_54 : vector<16xi1>, vector<16xf32>
      %parallel_loop3A_290 = vector.broadcast %parallel_loop3A_234 : i32 to vector<16xi32>
      %parallel_loop3A_291 = arith.select %parallel_loop3A_288, %parallel_loop3A_290, %parallel_loop3A_55 : vector<16xi1>, vector<16xi32>
      scf.yield %parallel_loop3A_112, %parallel_loop3A_114, %parallel_loop3A_171, %parallel_loop3A_173, %parallel_loop3A_230, %parallel_loop3A_232, %parallel_loop3A_289, %parallel_loop3A_291 : vector<16xf32>, vector<16xi32>, vector<16xf32>, vector<16xi32>, vector<16xf32>, vector<16xi32>, vector<16xf32>, vector<16xi32>
    } {sc.loop_unroll_factor = 1 : i64, sc.parallel_access}
    %gt3A = arith.cmpf ogt, %parallel_loop3A_21#2, %parallel_loop3A_21#0 : vector<16xf32>
    %eq3A_22 = arith.cmpf oeq, %parallel_loop3A_21#2, %parallel_loop3A_21#0 : vector<16xf32>
    %lt3A_23 = arith.cmpi slt, %parallel_loop3A_21#3, %parallel_loop3A_21#1 : vector<16xi32>
    %and3A_24 = arith.andi %eq3A_22, %lt3A_23 : vector<16xi1>
    %or3A = arith.ori %gt3A, %and3A_24 : vector<16xi1>
    %select_n3A = arith.select %or3A, %parallel_loop3A_21#2, %parallel_loop3A_21#0 : vector<16xi1>, vector<16xf32>
    %select_n3A_25 = arith.select %or3A, %parallel_loop3A_21#3, %parallel_loop3A_21#1 : vector<16xi1>, vector<16xi32>
    %gt3A_26 = arith.cmpf ogt, %parallel_loop3A_21#6, %parallel_loop3A_21#4 : vector<16xf32>
    %eq3A_27 = arith.cmpf oeq, %parallel_loop3A_21#6, %parallel_loop3A_21#4 : vector<16xf32>
    %lt3A_28 = arith.cmpi slt, %parallel_loop3A_21#7, %parallel_loop3A_21#5 : vector<16xi32>
    %and3A_29 = arith.andi %eq3A_27, %lt3A_28 : vector<16xi1>
    %or3A_30 = arith.ori %gt3A_26, %and3A_29 : vector<16xi1>
    %select_n3A_31 = arith.select %or3A_30, %parallel_loop3A_21#6, %parallel_loop3A_21#4 : vector<16xi1>, vector<16xf32>
    %select_n3A_32 = arith.select %or3A_30, %parallel_loop3A_21#7, %parallel_loop3A_21#5 : vector<16xi1>, vector<16xi32>
    %gt3A_33 = arith.cmpf ogt, %select_n3A_31, %select_n3A : vector<16xf32>
    %eq3A_34 = arith.cmpf oeq, %select_n3A_31, %select_n3A : vector<16xf32>
    %lt3A_35 = arith.cmpi slt, %select_n3A_32, %select_n3A_25 : vector<16xi32>
    %and3A_36 = arith.andi %eq3A_34, %lt3A_35 : vector<16xi1>
    %or3A_37 = arith.ori %gt3A_33, %and3A_36 : vector<16xi1>
    %select_n3A_38 = arith.select %or3A_37, %select_n3A_31, %select_n3A : vector<16xi1>, vector<16xf32>
    %select_n3A_39 = arith.select %or3A_37, %select_n3A_32, %select_n3A_25 : vector<16xi1>, vector<16xi32>
    %scan3A_40 = arith.constant 0 : i32
    %scan3A_41 = arith.constant 300 : i32
    %scan3A_42 = arith.addi %scan3A_40, %scan3A_41 : i32
    %scan3A_43 = arith.constant 1 : i32
    %scan3A_44:2 = scf.for %scan3A_47 = %scan3A_40 to %scan3A_42 step %scan3A_43 iter_args(%scan3A_48 = %select_n3A_38, %scan3A_49 = %select_n3A_39) -> (vector<16xf32>, vector<16xi32>)  : i32 {
      %mul3A_50 = arith.constant 16 : i32
      %mul3A_51 = vector.broadcast %mul3A_50 : i32 to vector<16xi32>
      %mul3A_52 = arith.muli %scan3A_49, %mul3A_51 : vector<16xi32>
      %add3A = vector.broadcast %mul3A_0 : i32 to vector<16xi32>
      %add3A_53 = arith.addi %add3A, %mul3A_52 : vector<16xi32>
      %add3A_54 = arith.addi %add3A_53, %iota3A : vector<16xi32>
      %xor3A = arith.constant 8 : i32
      %xor3A_55 = vector.broadcast %xor3A : i32 to vector<16xi32>
      %xor3A_56 = arith.xori %iota3A, %xor3A_55 : vector<16xi32>
      %lt3A_57 = arith.constant 0 : i32
      %lt3A_58 = vector.broadcast %lt3A_57 : i32 to vector<16xi32>
      %lt3A_59 = arith.cmpi slt, %xor3A_56, %lt3A_58 : vector<16xi32>
      %add3A_60 = arith.constant 16 : i32
      %add3A_61 = vector.broadcast %add3A_60 : i32 to vector<16xi32>
      %add3A_62 = arith.addi %xor3A_56, %add3A_61 : vector<16xi32>
      %select_n3A_63 = arith.select %lt3A_59, %add3A_62, %xor3A_56 : vector<16xi1>, vector<16xi32>
      %broadcast_in_dim3A_64 = vector.shape_cast %select_n3A_63 : vector<16xi32> to vector<16x1xi32>
      %gather3A_65 = vector.shape_cast %broadcast_in_dim3A_64 : vector<16x1xi32> to vector<16xi32>
      %gather3A_66 = tpu.dynamic_gather %scan3A_48[%gather3A_65] in [0] : vector<16xf32>, vector<16xi32> -> vector<16xf32>
      %max3A = arith.maximumf %scan3A_48, %gather3A_66 : vector<16xf32>
      %xor3A_67 = arith.constant 4 : i32
      %xor3A_68 = vector.broadcast %xor3A_67 : i32 to vector<16xi32>
      %xor3A_69 = arith.xori %iota3A, %xor3A_68 : vector<16xi32>
      %lt3A_70 = arith.constant 0 : i32
      %lt3A_71 = vector.broadcast %lt3A_70 : i32 to vector<16xi32>
      %lt3A_72 = arith.cmpi slt, %xor3A_69, %lt3A_71 : vector<16xi32>
      %add3A_73 = arith.constant 16 : i32
      %add3A_74 = vector.broadcast %add3A_73 : i32 to vector<16xi32>
      %add3A_75 = arith.addi %xor3A_69, %add3A_74 : vector<16xi32>
      %select_n3A_76 = arith.select %lt3A_72, %add3A_75, %xor3A_69 : vector<16xi1>, vector<16xi32>
      %broadcast_in_dim3A_77 = vector.shape_cast %select_n3A_76 : vector<16xi32> to vector<16x1xi32>
      %gather3A_78 = vector.shape_cast %broadcast_in_dim3A_77 : vector<16x1xi32> to vector<16xi32>
      %gather3A_79 = tpu.dynamic_gather %max3A[%gather3A_78] in [0] : vector<16xf32>, vector<16xi32> -> vector<16xf32>
      %max3A_80 = arith.maximumf %max3A, %gather3A_79 : vector<16xf32>
      %xor3A_81 = arith.constant 2 : i32
      %xor3A_82 = vector.broadcast %xor3A_81 : i32 to vector<16xi32>
      %xor3A_83 = arith.xori %iota3A, %xor3A_82 : vector<16xi32>
      %lt3A_84 = arith.constant 0 : i32
      %lt3A_85 = vector.broadcast %lt3A_84 : i32 to vector<16xi32>
      %lt3A_86 = arith.cmpi slt, %xor3A_83, %lt3A_85 : vector<16xi32>
      %add3A_87 = arith.constant 16 : i32
      %add3A_88 = vector.broadcast %add3A_87 : i32 to vector<16xi32>
      %add3A_89 = arith.addi %xor3A_83, %add3A_88 : vector<16xi32>
      %select_n3A_90 = arith.select %lt3A_86, %add3A_89, %xor3A_83 : vector<16xi1>, vector<16xi32>
      %broadcast_in_dim3A_91 = vector.shape_cast %select_n3A_90 : vector<16xi32> to vector<16x1xi32>
      %gather3A_92 = vector.shape_cast %broadcast_in_dim3A_91 : vector<16x1xi32> to vector<16xi32>
      %gather3A_93 = tpu.dynamic_gather %max3A_80[%gather3A_92] in [0] : vector<16xf32>, vector<16xi32> -> vector<16xf32>
      %max3A_94 = arith.maximumf %max3A_80, %gather3A_93 : vector<16xf32>
      %xor3A_95 = arith.constant 1 : i32
      %xor3A_96 = vector.broadcast %xor3A_95 : i32 to vector<16xi32>
      %xor3A_97 = arith.xori %iota3A, %xor3A_96 : vector<16xi32>
      %lt3A_98 = arith.constant 0 : i32
      %lt3A_99 = vector.broadcast %lt3A_98 : i32 to vector<16xi32>
      %lt3A_100 = arith.cmpi slt, %xor3A_97, %lt3A_99 : vector<16xi32>
      %add3A_101 = arith.constant 16 : i32
      %add3A_102 = vector.broadcast %add3A_101 : i32 to vector<16xi32>
      %add3A_103 = arith.addi %xor3A_97, %add3A_102 : vector<16xi32>
      %select_n3A_104 = arith.select %lt3A_100, %add3A_103, %xor3A_97 : vector<16xi1>, vector<16xi32>
      %broadcast_in_dim3A_105 = vector.shape_cast %select_n3A_104 : vector<16xi32> to vector<16x1xi32>
      %gather3A_106 = vector.shape_cast %broadcast_in_dim3A_105 : vector<16x1xi32> to vector<16xi32>
      %gather3A_107 = tpu.dynamic_gather %max3A_94[%gather3A_106] in [0] : vector<16xf32>, vector<16xi32> -> vector<16xf32>
      %max3A_108 = arith.maximumf %max3A_94, %gather3A_107 : vector<16xf32>
      %eq3A_109 = arith.cmpf oeq, %scan3A_48, %max3A_108 : vector<16xf32>
      %jit3A = arith.constant 1073741824 : i32
      %broadcast_in_dim3A_110 = vector.broadcast %jit3A : i32 to vector<16xi32>
      %select_n3A_111 = arith.select %eq3A_109, %add3A_54, %broadcast_in_dim3A_110 : vector<16xi1>, vector<16xi32>
      %xor3A_112 = arith.constant 8 : i32
      %xor3A_113 = vector.broadcast %xor3A_112 : i32 to vector<16xi32>
      %xor3A_114 = arith.xori %iota3A, %xor3A_113 : vector<16xi32>
      %lt3A_115 = arith.constant 0 : i32
      %lt3A_116 = vector.broadcast %lt3A_115 : i32 to vector<16xi32>
      %lt3A_117 = arith.cmpi slt, %xor3A_114, %lt3A_116 : vector<16xi32>
      %add3A_118 = arith.constant 16 : i32
      %add3A_119 = vector.broadcast %add3A_118 : i32 to vector<16xi32>
      %add3A_120 = arith.addi %xor3A_114, %add3A_119 : vector<16xi32>
      %select_n3A_121 = arith.select %lt3A_117, %add3A_120, %xor3A_114 : vector<16xi1>, vector<16xi32>
      %broadcast_in_dim3A_122 = vector.shape_cast %select_n3A_121 : vector<16xi32> to vector<16x1xi32>
      %gather3A_123 = vector.shape_cast %broadcast_in_dim3A_122 : vector<16x1xi32> to vector<16xi32>
      %gather3A_124 = tpu.dynamic_gather %select_n3A_111[%gather3A_123] in [0] : vector<16xi32>, vector<16xi32> -> vector<16xi32>
      %min3A = arith.minsi %select_n3A_111, %gather3A_124 : vector<16xi32>
      %xor3A_125 = arith.constant 4 : i32
      %xor3A_126 = vector.broadcast %xor3A_125 : i32 to vector<16xi32>
      %xor3A_127 = arith.xori %iota3A, %xor3A_126 : vector<16xi32>
      %lt3A_128 = arith.constant 0 : i32
      %lt3A_129 = vector.broadcast %lt3A_128 : i32 to vector<16xi32>
      %lt3A_130 = arith.cmpi slt, %xor3A_127, %lt3A_129 : vector<16xi32>
      %add3A_131 = arith.constant 16 : i32
      %add3A_132 = vector.broadcast %add3A_131 : i32 to vector<16xi32>
      %add3A_133 = arith.addi %xor3A_127, %add3A_132 : vector<16xi32>
      %select_n3A_134 = arith.select %lt3A_130, %add3A_133, %xor3A_127 : vector<16xi1>, vector<16xi32>
      %broadcast_in_dim3A_135 = vector.shape_cast %select_n3A_134 : vector<16xi32> to vector<16x1xi32>
      %gather3A_136 = vector.shape_cast %broadcast_in_dim3A_135 : vector<16x1xi32> to vector<16xi32>
      %gather3A_137 = tpu.dynamic_gather %min3A[%gather3A_136] in [0] : vector<16xi32>, vector<16xi32> -> vector<16xi32>
      %min3A_138 = arith.minsi %min3A, %gather3A_137 : vector<16xi32>
      %xor3A_139 = arith.constant 2 : i32
      %xor3A_140 = vector.broadcast %xor3A_139 : i32 to vector<16xi32>
      %xor3A_141 = arith.xori %iota3A, %xor3A_140 : vector<16xi32>
      %lt3A_142 = arith.constant 0 : i32
      %lt3A_143 = vector.broadcast %lt3A_142 : i32 to vector<16xi32>
      %lt3A_144 = arith.cmpi slt, %xor3A_141, %lt3A_143 : vector<16xi32>
      %add3A_145 = arith.constant 16 : i32
      %add3A_146 = vector.broadcast %add3A_145 : i32 to vector<16xi32>
      %add3A_147 = arith.addi %xor3A_141, %add3A_146 : vector<16xi32>
      %select_n3A_148 = arith.select %lt3A_144, %add3A_147, %xor3A_141 : vector<16xi1>, vector<16xi32>
      %broadcast_in_dim3A_149 = vector.shape_cast %select_n3A_148 : vector<16xi32> to vector<16x1xi32>
      %gather3A_150 = vector.shape_cast %broadcast_in_dim3A_149 : vector<16x1xi32> to vector<16xi32>
      %gather3A_151 = tpu.dynamic_gather %min3A_138[%gather3A_150] in [0] : vector<16xi32>, vector<16xi32> -> vector<16xi32>
      %min3A_152 = arith.minsi %min3A_138, %gather3A_151 : vector<16xi32>
      %xor3A_153 = arith.constant 1 : i32
      %xor3A_154 = vector.broadcast %xor3A_153 : i32 to vector<16xi32>
      %xor3A_155 = arith.xori %iota3A, %xor3A_154 : vector<16xi32>
      %lt3A_156 = arith.constant 0 : i32
      %lt3A_157 = vector.broadcast %lt3A_156 : i32 to vector<16xi32>
      %lt3A_158 = arith.cmpi slt, %xor3A_155, %lt3A_157 : vector<16xi32>
      %add3A_159 = arith.constant 16 : i32
      %add3A_160 = vector.broadcast %add3A_159 : i32 to vector<16xi32>
      %add3A_161 = arith.addi %xor3A_155, %add3A_160 : vector<16xi32>
      %select_n3A_162 = arith.select %lt3A_158, %add3A_161, %xor3A_155 : vector<16xi1>, vector<16xi32>
      %broadcast_in_dim3A_163 = vector.shape_cast %select_n3A_162 : vector<16xi32> to vector<16x1xi32>
      %gather3A_164 = vector.shape_cast %broadcast_in_dim3A_163 : vector<16x1xi32> to vector<16xi32>
      %gather3A_165 = tpu.dynamic_gather %min3A_152[%gather3A_164] in [0] : vector<16xi32>, vector<16xi32> -> vector<16xi32>
      %min3A_166 = arith.minsi %min3A_152, %gather3A_165 : vector<16xi32>
      %eq3A_167 = arith.constant 0 : i32
      %eq3A_168 = vector.broadcast %eq3A_167 : i32 to vector<16xi32>
      %eq3A_169 = arith.cmpi eq, %iota3A, %eq3A_168 : vector<16xi32>
      %eq3A_170 = arith.constant 1 : i32
      %eq3A_171 = vector.broadcast %eq3A_170 : i32 to vector<16xi32>
      %eq3A_172 = arith.cmpi eq, %iota3A, %eq3A_171 : vector<16xi32>
      %convert_element_type3A_173 = arith.sitofp %min3A_166 : vector<16xi32> to vector<16xf32>
      %jit3A_174 = arith.constant 0.000000e+00 : f32
      %broadcast_in_dim3A_175 = vector.broadcast %jit3A_174 : f32 to vector<16xf32>
      %select_n3A_176 = arith.select %eq3A_172, %convert_element_type3A_173, %broadcast_in_dim3A_175 : vector<16xi1>, vector<16xf32>
      %select_n3A_177 = arith.select %eq3A_169, %max3A_108, %select_n3A_176 : vector<16xi1>, vector<16xf32>
      %swap3A = arith.constant 0 : index
      %swap3A_178 = tpu.vector_load %arg13[%swap3A] {strides = array<i32>} : memref<16xf32, #tpu.memory_space<vmem>>, vector<16xf32>,
      tpu.vector_store %arg13[%swap3A], %select_n3A_177 {strides = array<i32>} : memref<16xf32, #tpu.memory_space<vmem>>, vector<16xf32>,
      %and3A_179 = arith.constant 1 : i32
      %and3A_180 = arith.andi %scan3A_47, %and3A_179 : i32
      %mul3A_181 = arith.constant 256 : i32
      %mul3A_182 = arith.muli %and3A_180, %mul3A_181 : i32
      %mul3A_183 = arith.constant 16 : i32
      %mul3A_184 = arith.muli %arg1, %mul3A_183 : i32
      %add3A_185 = arith.addi %mul3A_182, %mul3A_184 : i32
      "tpu.region"() ({
        %run_scoped3A = tpu.sem_alloc : memref<!tpu.dma_semaphore, #tpu.memory_space<semaphore_mem>>
        %dma_start3A = tpu.memref_slice %arg16[%add3A_185] : memref<512xf32, #tpu.memory_space<vmem_shared>> -> memref<16xf32, #tpu.memory_space<vmem_shared>>
        %dma_start3A_351 = tpu.memref_slice %arg16[%add3A_185] : memref<512xf32, #tpu.memory_space<vmem_shared>> -> memref<16xf32, #tpu.memory_space<vmem_shared>>
        tpu.enqueue_dma source(%arg13 : memref<16xf32, #tpu.memory_space<vmem>>) target(%dma_start3A_351 : memref<16xf32, #tpu.memory_space<vmem_shared>>) target_semaphore(%run_scoped3A : memref<!tpu.dma_semaphore, #tpu.memory_space<semaphore_mem>>)
        %dma_wait3A = tpu.memref_slice %arg16[%add3A_185] : memref<512xf32, #tpu.memory_space<vmem_shared>> -> memref<16xf32, #tpu.memory_space<vmem_shared>>
        %dma_wait3A_352 = tpu.memref_slice %arg16[%add3A_185] : memref<512xf32, #tpu.memory_space<vmem_shared>> -> memref<16xf32, #tpu.memory_space<vmem_shared>>
        tpu.wait_dma2 semaphore(%run_scoped3A : memref<!tpu.dma_semaphore, #tpu.memory_space<semaphore_mem>>) src(%arg13 : memref<16xf32, #tpu.memory_space<vmem>>) dst(%dma_wait3A_352 : memref<16xf32, #tpu.memory_space<vmem_shared>>)
        tpu.yield
      }) : () -> ()
      %barrier3A = arith.constant 0 : index
      tpu.barrier barrier_id(%barrier3A)
      "tpu.region"() ({
        %run_scoped3A = tpu.sem_alloc : memref<!tpu.dma_semaphore, #tpu.memory_space<semaphore_mem>>
        %dma_start3A = tpu.memref_slice %arg16[%mul3A_182] : memref<512xf32, #tpu.memory_space<vmem_shared>> -> memref<256xf32, #tpu.memory_space<vmem_shared>>
        %dma_start3A_351 = tpu.memref_slice %arg16[%mul3A_182] : memref<512xf32, #tpu.memory_space<vmem_shared>> -> memref<256xf32, #tpu.memory_space<vmem_shared>>
        tpu.enqueue_dma source(%dma_start3A_351 : memref<256xf32, #tpu.memory_space<vmem_shared>>) target(%arg14 : memref<256xf32, #tpu.memory_space<vmem>>) target_semaphore(%run_scoped3A : memref<!tpu.dma_semaphore, #tpu.memory_space<semaphore_mem>>)
        %dma_wait3A = tpu.memref_slice %arg16[%mul3A_182] : memref<512xf32, #tpu.memory_space<vmem_shared>> -> memref<256xf32, #tpu.memory_space<vmem_shared>>
        %dma_wait3A_352 = tpu.memref_slice %arg16[%mul3A_182] : memref<512xf32, #tpu.memory_space<vmem_shared>> -> memref<256xf32, #tpu.memory_space<vmem_shared>>
        tpu.wait_dma2 semaphore(%run_scoped3A : memref<!tpu.dma_semaphore, #tpu.memory_space<semaphore_mem>>) src(%dma_wait3A_352 : memref<256xf32, #tpu.memory_space<vmem_shared>>) dst(%arg14 : memref<256xf32, #tpu.memory_space<vmem>>)
        tpu.yield
      }) : () -> ()
      %mul3A_186 = arith.constant 16 : i32
      %mul3A_187 = vector.broadcast %mul3A_186 : i32 to vector<16xi32>
      %mul3A_188 = arith.muli %iota3A, %mul3A_187 : vector<16xi32>
      %gather3A_189 = tpu.vector_load_idx %arg14[%mul3A_188] : memref<256xf32, #tpu.memory_space<vmem>>[vector<16xi32>], vector<16xf32>,
      %mul3A_190 = arith.constant 16 : i32
      %mul3A_191 = vector.broadcast %mul3A_190 : i32 to vector<16xi32>
      %mul3A_192 = arith.muli %iota3A, %mul3A_191 : vector<16xi32>
      %add3A_193 = arith.constant 1 : i32
      %add3A_194 = vector.broadcast %add3A_193 : i32 to vector<16xi32>
      %add3A_195 = arith.addi %mul3A_192, %add3A_194 : vector<16xi32>
      %gather3A_196 = tpu.vector_load_idx %arg14[%add3A_195] : memref<256xf32, #tpu.memory_space<vmem>>[vector<16xi32>], vector<16xf32>,
      %xor3A_197 = arith.constant 8 : i32
      %xor3A_198 = vector.broadcast %xor3A_197 : i32 to vector<16xi32>
      %xor3A_199 = arith.xori %iota3A, %xor3A_198 : vector<16xi32>
      %lt3A_200 = arith.constant 0 : i32
      %lt3A_201 = vector.broadcast %lt3A_200 : i32 to vector<16xi32>
      %lt3A_202 = arith.cmpi slt, %xor3A_199, %lt3A_201 : vector<16xi32>
      %add3A_203 = arith.constant 16 : i32
      %add3A_204 = vector.broadcast %add3A_203 : i32 to vector<16xi32>
      %add3A_205 = arith.addi %xor3A_199, %add3A_204 : vector<16xi32>
      %select_n3A_206 = arith.select %lt3A_202, %add3A_205, %xor3A_199 : vector<16xi1>, vector<16xi32>
      %broadcast_in_dim3A_207 = vector.shape_cast %select_n3A_206 : vector<16xi32> to vector<16x1xi32>
      %gather3A_208 = vector.shape_cast %broadcast_in_dim3A_207 : vector<16x1xi32> to vector<16xi32>
      %gather3A_209 = tpu.dynamic_gather %gather3A_189[%gather3A_208] in [0] : vector<16xf32>, vector<16xi32> -> vector<16xf32>
      %max3A_210 = arith.maximumf %gather3A_189, %gather3A_209 : vector<16xf32>
      %xor3A_211 = arith.constant 4 : i32
      %xor3A_212 = vector.broadcast %xor3A_211 : i32 to vector<16xi32>
      %xor3A_213 = arith.xori %iota3A, %xor3A_212 : vector<16xi32>
      %lt3A_214 = arith.constant 0 : i32
      %lt3A_215 = vector.broadcast %lt3A_214 : i32 to vector<16xi32>
      %lt3A_216 = arith.cmpi slt, %xor3A_213, %lt3A_215 : vector<16xi32>
      %add3A_217 = arith.constant 16 : i32
      %add3A_218 = vector.broadcast %add3A_217 : i32 to vector<16xi32>
      %add3A_219 = arith.addi %xor3A_213, %add3A_218 : vector<16xi32>
      %select_n3A_220 = arith.select %lt3A_216, %add3A_219, %xor3A_213 : vector<16xi1>, vector<16xi32>
      %broadcast_in_dim3A_221 = vector.shape_cast %select_n3A_220 : vector<16xi32> to vector<16x1xi32>
      %gather3A_222 = vector.shape_cast %broadcast_in_dim3A_221 : vector<16x1xi32> to vector<16xi32>
      %gather3A_223 = tpu.dynamic_gather %max3A_210[%gather3A_222] in [0] : vector<16xf32>, vector<16xi32> -> vector<16xf32>
      %max3A_224 = arith.maximumf %max3A_210, %gather3A_223 : vector<16xf32>
      %xor3A_225 = arith.constant 2 : i32
      %xor3A_226 = vector.broadcast %xor3A_225 : i32 to vector<16xi32>
      %xor3A_227 = arith.xori %iota3A, %xor3A_226 : vector<16xi32>
      %lt3A_228 = arith.constant 0 : i32
      %lt3A_229 = vector.broadcast %lt3A_228 : i32 to vector<16xi32>
      %lt3A_230 = arith.cmpi slt, %xor3A_227, %lt3A_229 : vector<16xi32>
      %add3A_231 = arith.constant 16 : i32
      %add3A_232 = vector.broadcast %add3A_231 : i32 to vector<16xi32>
      %add3A_233 = arith.addi %xor3A_227, %add3A_232 : vector<16xi32>
      %select_n3A_234 = arith.select %lt3A_230, %add3A_233, %xor3A_227 : vector<16xi1>, vector<16xi32>
      %broadcast_in_dim3A_235 = vector.shape_cast %select_n3A_234 : vector<16xi32> to vector<16x1xi32>
      %gather3A_236 = vector.shape_cast %broadcast_in_dim3A_235 : vector<16x1xi32> to vector<16xi32>
      %gather3A_237 = tpu.dynamic_gather %max3A_224[%gather3A_236] in [0] : vector<16xf32>, vector<16xi32> -> vector<16xf32>
      %max3A_238 = arith.maximumf %max3A_224, %gather3A_237 : vector<16xf32>
      %xor3A_239 = arith.constant 1 : i32
      %xor3A_240 = vector.broadcast %xor3A_239 : i32 to vector<16xi32>
      %xor3A_241 = arith.xori %iota3A, %xor3A_240 : vector<16xi32>
      %lt3A_242 = arith.constant 0 : i32
      %lt3A_243 = vector.broadcast %lt3A_242 : i32 to vector<16xi32>
      %lt3A_244 = arith.cmpi slt, %xor3A_241, %lt3A_243 : vector<16xi32>
      %add3A_245 = arith.constant 16 : i32
      %add3A_246 = vector.broadcast %add3A_245 : i32 to vector<16xi32>
      %add3A_247 = arith.addi %xor3A_241, %add3A_246 : vector<16xi32>
      %select_n3A_248 = arith.select %lt3A_244, %add3A_247, %xor3A_241 : vector<16xi1>, vector<16xi32>
      %broadcast_in_dim3A_249 = vector.shape_cast %select_n3A_248 : vector<16xi32> to vector<16x1xi32>
      %gather3A_250 = vector.shape_cast %broadcast_in_dim3A_249 : vector<16x1xi32> to vector<16xi32>
      %gather3A_251 = tpu.dynamic_gather %max3A_238[%gather3A_250] in [0] : vector<16xf32>, vector<16xi32> -> vector<16xf32>
      %max3A_252 = arith.maximumf %max3A_238, %gather3A_251 : vector<16xf32>
      %eq3A_253 = arith.cmpf oeq, %gather3A_189, %max3A_252 : vector<16xf32>
      %jit3A_254 = arith.constant 3.000000e+38 : f32
      %broadcast_in_dim3A_255 = vector.broadcast %jit3A_254 : f32 to vector<16xf32>
      %select_n3A_256 = arith.select %eq3A_253, %gather3A_196, %broadcast_in_dim3A_255 : vector<16xi1>, vector<16xf32>
      %xor3A_257 = arith.constant 8 : i32
      %xor3A_258 = vector.broadcast %xor3A_257 : i32 to vector<16xi32>
      %xor3A_259 = arith.xori %iota3A, %xor3A_258 : vector<16xi32>
      %lt3A_260 = arith.constant 0 : i32
      %lt3A_261 = vector.broadcast %lt3A_260 : i32 to vector<16xi32>
      %lt3A_262 = arith.cmpi slt, %xor3A_259, %lt3A_261 : vector<16xi32>
      %add3A_263 = arith.constant 16 : i32
      %add3A_264 = vector.broadcast %add3A_263 : i32 to vector<16xi32>
      %add3A_265 = arith.addi %xor3A_259, %add3A_264 : vector<16xi32>
      %select_n3A_266 = arith.select %lt3A_262, %add3A_265, %xor3A_259 : vector<16xi1>, vector<16xi32>
      %broadcast_in_dim3A_267 = vector.shape_cast %select_n3A_266 : vector<16xi32> to vector<16x1xi32>
      %gather3A_268 = vector.shape_cast %broadcast_in_dim3A_267 : vector<16x1xi32> to vector<16xi32>
      %gather3A_269 = tpu.dynamic_gather %select_n3A_256[%gather3A_268] in [0] : vector<16xf32>, vector<16xi32> -> vector<16xf32>
      %min3A_270 = arith.minimumf %select_n3A_256, %gather3A_269 : vector<16xf32>
      %xor3A_271 = arith.constant 4 : i32
      %xor3A_272 = vector.broadcast %xor3A_271 : i32 to vector<16xi32>
      %xor3A_273 = arith.xori %iota3A, %xor3A_272 : vector<16xi32>
      %lt3A_274 = arith.constant 0 : i32
      %lt3A_275 = vector.broadcast %lt3A_274 : i32 to vector<16xi32>
      %lt3A_276 = arith.cmpi slt, %xor3A_273, %lt3A_275 : vector<16xi32>
      %add3A_277 = arith.constant 16 : i32
      %add3A_278 = vector.broadcast %add3A_277 : i32 to vector<16xi32>
      %add3A_279 = arith.addi %xor3A_273, %add3A_278 : vector<16xi32>
      %select_n3A_280 = arith.select %lt3A_276, %add3A_279, %xor3A_273 : vector<16xi1>, vector<16xi32>
      %broadcast_in_dim3A_281 = vector.shape_cast %select_n3A_280 : vector<16xi32> to vector<16x1xi32>
      %gather3A_282 = vector.shape_cast %broadcast_in_dim3A_281 : vector<16x1xi32> to vector<16xi32>
      %gather3A_283 = tpu.dynamic_gather %min3A_270[%gather3A_282] in [0] : vector<16xf32>, vector<16xi32> -> vector<16xf32>
      %min3A_284 = arith.minimumf %min3A_270, %gather3A_283 : vector<16xf32>
      %xor3A_285 = arith.constant 2 : i32
      %xor3A_286 = vector.broadcast %xor3A_285 : i32 to vector<16xi32>
      %xor3A_287 = arith.xori %iota3A, %xor3A_286 : vector<16xi32>
      %lt3A_288 = arith.constant 0 : i32
      %lt3A_289 = vector.broadcast %lt3A_288 : i32 to vector<16xi32>
      %lt3A_290 = arith.cmpi slt, %xor3A_287, %lt3A_289 : vector<16xi32>
      %add3A_291 = arith.constant 16 : i32
      %add3A_292 = vector.broadcast %add3A_291 : i32 to vector<16xi32>
      %add3A_293 = arith.addi %xor3A_287, %add3A_292 : vector<16xi32>
      %select_n3A_294 = arith.select %lt3A_290, %add3A_293, %xor3A_287 : vector<16xi1>, vector<16xi32>
      %broadcast_in_dim3A_295 = vector.shape_cast %select_n3A_294 : vector<16xi32> to vector<16x1xi32>
      %gather3A_296 = vector.shape_cast %broadcast_in_dim3A_295 : vector<16x1xi32> to vector<16xi32>
      %gather3A_297 = tpu.dynamic_gather %min3A_284[%gather3A_296] in [0] : vector<16xf32>, vector<16xi32> -> vector<16xf32>
      %min3A_298 = arith.minimumf %min3A_284, %gather3A_297 : vector<16xf32>
      %xor3A_299 = arith.constant 1 : i32
      %xor3A_300 = vector.broadcast %xor3A_299 : i32 to vector<16xi32>
      %xor3A_301 = arith.xori %iota3A, %xor3A_300 : vector<16xi32>
      %lt3A_302 = arith.constant 0 : i32
      %lt3A_303 = vector.broadcast %lt3A_302 : i32 to vector<16xi32>
      %lt3A_304 = arith.cmpi slt, %xor3A_301, %lt3A_303 : vector<16xi32>
      %add3A_305 = arith.constant 16 : i32
      %add3A_306 = vector.broadcast %add3A_305 : i32 to vector<16xi32>
      %add3A_307 = arith.addi %xor3A_301, %add3A_306 : vector<16xi32>
      %select_n3A_308 = arith.select %lt3A_304, %add3A_307, %xor3A_301 : vector<16xi1>, vector<16xi32>
      %broadcast_in_dim3A_309 = vector.shape_cast %select_n3A_308 : vector<16xi32> to vector<16x1xi32>
      %gather3A_310 = vector.shape_cast %broadcast_in_dim3A_309 : vector<16x1xi32> to vector<16xi32>
      %gather3A_311 = tpu.dynamic_gather %min3A_298[%gather3A_310] in [0] : vector<16xf32>, vector<16xi32> -> vector<16xf32>
      %min3A_312 = arith.minimumf %min3A_298, %gather3A_311 : vector<16xf32>
      %convert_element_type3A_313 = arith.fptosi %min3A_312 : vector<16xf32> to vector<16xi32>
      %gt3A_314 = arith.constant 0.000000e+00 : f32
      %gt3A_315 = vector.broadcast %gt3A_314 : f32 to vector<16xf32>
      %gt3A_316 = arith.cmpf ogt, %max3A_252, %gt3A_315 : vector<16xf32>
      %gather3A_317 = tpu.vector_load_idx %arg8[%convert_element_type3A_313] : memref<20480xf32, #tpu.memory_space<vmem>>[vector<16xi32>], vector<16xf32>,
      %gather3A_318 = tpu.vector_load_idx %arg9[%convert_element_type3A_313] : memref<20480xf32, #tpu.memory_space<vmem>>[vector<16xi32>], vector<16xf32>,
      %gather3A_319 = tpu.vector_load_idx %arg10[%convert_element_type3A_313] : memref<20480xf32, #tpu.memory_space<vmem>>[vector<16xi32>], vector<16xf32>,
      %gather3A_320 = tpu.vector_load_idx %arg11[%convert_element_type3A_313] : memref<20480xf32, #tpu.memory_space<vmem>>[vector<16xi32>], vector<16xf32>,
      %sub3A = arith.subf %gather3A_319, %gather3A_317 : vector<16xf32>
      %sub3A_321 = arith.subf %gather3A_320, %gather3A_318 : vector<16xf32>
      %mul3A_322 = arith.mulf %sub3A, %sub3A_321 : vector<16xf32>
      %parallel_loop3A_323 = arith.constant 0 : i32
      %parallel_loop3A_324 = arith.constant 80 : i32
      %parallel_loop3A_325 = arith.constant 4 : i32
      %parallel_loop3A_326:8 = scf.for %parallel_loop3A_351 = %parallel_loop3A_323 to %parallel_loop3A_324 step %parallel_loop3A_325 iter_args(%parallel_loop3A_352 = %broadcast_in_dim3A_11, %parallel_loop3A_353 = %broadcast_in_dim3A_13, %parallel_loop3A_354 = %broadcast_in_dim3A_11, %parallel_loop3A_355 = %broadcast_in_dim3A_13, %parallel_loop3A_356 = %broadcast_in_dim3A_11, %parallel_loop3A_357 = %broadcast_in_dim3A_13, %parallel_loop3A_358 = %broadcast_in_dim3A_11, %parallel_loop3A_359 = %broadcast_in_dim3A_13) -> (vector<16xf32>, vector<16xi32>, vector<16xf32>, vector<16xi32>, vector<16xf32>, vector<16xi32>, vector<16xf32>, vector<16xi32>)  : i32 {
        %parallel_loop3A_360 = arith.constant 0 : i32
        %parallel_loop3A_361 = arith.addi %parallel_loop3A_351, %parallel_loop3A_360 : i32
        %parallel_loop3A_362 = arith.constant 16 : i32
        %parallel_loop3A_363 = arith.muli %parallel_loop3A_361, %parallel_loop3A_362 : i32
        %parallel_loop3A_364 = arith.constant 16 : i32
        %parallel_loop3A_365 = arith.muli %parallel_loop3A_361, %parallel_loop3A_364 : i32
        %parallel_loop3A_366 = arith.addi %mul3A_0, %parallel_loop3A_365 : i32
        %parallel_loop3A_367 = arith.index_cast %parallel_loop3A_366 : i32 to index
        %parallel_loop3A_368 = tpu.vector_load %arg8[%parallel_loop3A_367] {strides = array<i32>} : memref<20480xf32, #tpu.memory_space<vmem>>, vector<16xf32>,
        %parallel_loop3A_369 = arith.index_cast %parallel_loop3A_366 : i32 to index
        %parallel_loop3A_370 = tpu.vector_load %arg9[%parallel_loop3A_369] {strides = array<i32>} : memref<20480xf32, #tpu.memory_space<vmem>>, vector<16xf32>,
        %parallel_loop3A_371 = arith.index_cast %parallel_loop3A_366 : i32 to index
        %parallel_loop3A_372 = tpu.vector_load %arg10[%parallel_loop3A_371] {strides = array<i32>} : memref<20480xf32, #tpu.memory_space<vmem>>, vector<16xf32>,
        %parallel_loop3A_373 = arith.index_cast %parallel_loop3A_366 : i32 to index
        %parallel_loop3A_374 = tpu.vector_load %arg11[%parallel_loop3A_373] {strides = array<i32>} : memref<20480xf32, #tpu.memory_space<vmem>>, vector<16xf32>,
        %parallel_loop3A_375 = arith.maximumf %gather3A_317, %parallel_loop3A_368 : vector<16xf32>
        %parallel_loop3A_376 = arith.maximumf %gather3A_318, %parallel_loop3A_370 : vector<16xf32>
        %parallel_loop3A_377 = arith.minimumf %gather3A_319, %parallel_loop3A_372 : vector<16xf32>
        %parallel_loop3A_378 = arith.minimumf %gather3A_320, %parallel_loop3A_374 : vector<16xf32>
        %parallel_loop3A_379 = arith.subf %parallel_loop3A_377, %parallel_loop3A_375 : vector<16xf32>
        %parallel_loop3A_380 = arith.constant 0.000000e+00 : f32
        %parallel_loop3A_381 = vector.broadcast %parallel_loop3A_380 : f32 to vector<16xf32>
        %parallel_loop3A_382 = arith.maximumf %parallel_loop3A_379, %parallel_loop3A_381 : vector<16xf32>
        %parallel_loop3A_383 = arith.subf %parallel_loop3A_378, %parallel_loop3A_376 : vector<16xf32>
        %parallel_loop3A_384 = arith.constant 0.000000e+00 : f32
        %parallel_loop3A_385 = vector.broadcast %parallel_loop3A_384 : f32 to vector<16xf32>
        %parallel_loop3A_386 = arith.maximumf %parallel_loop3A_383, %parallel_loop3A_385 : vector<16xf32>
        %parallel_loop3A_387 = arith.mulf %parallel_loop3A_382, %parallel_loop3A_386 : vector<16xf32>
        %parallel_loop3A_388 = arith.subf %parallel_loop3A_372, %parallel_loop3A_368 : vector<16xf32>
        %parallel_loop3A_389 = arith.subf %parallel_loop3A_374, %parallel_loop3A_370 : vector<16xf32>
        %parallel_loop3A_390 = arith.mulf %parallel_loop3A_388, %parallel_loop3A_389 : vector<16xf32>
        %parallel_loop3A_391 = arith.addf %mul3A_322, %parallel_loop3A_390 : vector<16xf32>
        %parallel_loop3A_392 = arith.subf %parallel_loop3A_391, %parallel_loop3A_387 : vector<16xf32>
        %parallel_loop3A_393 = arith.constant 1.000000e-07 : f32
        %parallel_loop3A_394 = vector.broadcast %parallel_loop3A_393 : f32 to vector<16xf32>
        %parallel_loop3A_395 = arith.addf %parallel_loop3A_392, %parallel_loop3A_394 : vector<16xf32>
        %parallel_loop3A_396 = arith.divf %parallel_loop3A_387, %parallel_loop3A_395 : vector<16xf32>
        %parallel_loop3A_397 = arith.constant 16 : i32
        %parallel_loop3A_398 = arith.muli %parallel_loop3A_361, %parallel_loop3A_397 : i32
        %parallel_loop3A_399 = arith.addi %mul3A_0, %parallel_loop3A_398 : i32
        %parallel_loop3A_400 = vector.broadcast %parallel_loop3A_399 : i32 to vector<16xi32>
        %parallel_loop3A_401 = arith.addi %parallel_loop3A_400, %iota3A : vector<16xi32>
        %parallel_loop3A_402 = arith.constant 4.500000e-01 : f32
        %parallel_loop3A_403 = vector.broadcast %parallel_loop3A_402 : f32 to vector<16xf32>
        %parallel_loop3A_404 = arith.cmpf ogt, %parallel_loop3A_396, %parallel_loop3A_403 : vector<16xf32>
        %parallel_loop3A_405 = arith.cmpi eq, %parallel_loop3A_401, %convert_element_type3A_313 : vector<16xi32>
        %parallel_loop3A_406 = arith.ori %parallel_loop3A_404, %parallel_loop3A_405 : vector<16xi1>
        %parallel_loop3A_407 = arith.andi %parallel_loop3A_406, %gt3A_316 : vector<16xi1>
        %parallel_loop3A_408 = arith.index_cast %parallel_loop3A_363 : i32 to index
        %parallel_loop3A_409 = tpu.vector_load %arg12[%parallel_loop3A_408] {strides = array<i32>} : memref<1280xf32, #tpu.memory_space<vmem>>, vector<16xf32>,
        %parallel_loop3A_410 = arith.constant -1.000000e+00 : f32
        %parallel_loop3A_411 = vector.broadcast %parallel_loop3A_410 : f32 to vector<16xf32>
        %parallel_loop3A_412 = arith.select %parallel_loop3A_407, %parallel_loop3A_411, %parallel_loop3A_409 : vector<16xi1>, vector<16xf32>
        %parallel_loop3A_413 = arith.index_cast %parallel_loop3A_363 : i32 to index
        %parallel_loop3A_414 = tpu.vector_load %arg12[%parallel_loop3A_413] {strides = array<i32>} : memref<1280xf32, #tpu.memory_space<vmem>>, vector<16xf32>,
        tpu.vector_store %arg12[%parallel_loop3A_413], %parallel_loop3A_412 {strides = array<i32>} : memref<1280xf32, #tpu.memory_space<vmem>>, vector<16xf32>,
        %parallel_loop3A_415 = arith.cmpf ogt, %parallel_loop3A_412, %parallel_loop3A_352 : vector<16xf32>
        %parallel_loop3A_416 = arith.select %parallel_loop3A_415, %parallel_loop3A_412, %parallel_loop3A_352 : vector<16xi1>, vector<16xf32>
        %parallel_loop3A_417 = vector.broadcast %parallel_loop3A_361 : i32 to vector<16xi32>
        %parallel_loop3A_418 = arith.select %parallel_loop3A_415, %parallel_loop3A_417, %parallel_loop3A_353 : vector<16xi1>, vector<16xi32>
        %parallel_loop3A_419 = arith.constant 1 : i32
        %parallel_loop3A_420 = arith.addi %parallel_loop3A_351, %parallel_loop3A_419 : i32
        %parallel_loop3A_421 = arith.constant 16 : i32
        %parallel_loop3A_422 = arith.muli %parallel_loop3A_420, %parallel_loop3A_421 : i32
        %parallel_loop3A_423 = arith.constant 16 : i32
        %parallel_loop3A_424 = arith.muli %parallel_loop3A_420, %parallel_loop3A_423 : i32
        %parallel_loop3A_425 = arith.addi %mul3A_0, %parallel_loop3A_424 : i32
        %parallel_loop3A_426 = arith.index_cast %parallel_loop3A_425 : i32 to index
        %parallel_loop3A_427 = tpu.vector_load %arg8[%parallel_loop3A_426] {strides = array<i32>} : memref<20480xf32, #tpu.memory_space<vmem>>, vector<16xf32>,
        %parallel_loop3A_428 = arith.index_cast %parallel_loop3A_425 : i32 to index
        %parallel_loop3A_429 = tpu.vector_load %arg9[%parallel_loop3A_428] {strides = array<i32>} : memref<20480xf32, #tpu.memory_space<vmem>>, vector<16xf32>,
        %parallel_loop3A_430 = arith.index_cast %parallel_loop3A_425 : i32 to index
        %parallel_loop3A_431 = tpu.vector_load %arg10[%parallel_loop3A_430] {strides = array<i32>} : memref<20480xf32, #tpu.memory_space<vmem>>, vector<16xf32>,
        %parallel_loop3A_432 = arith.index_cast %parallel_loop3A_425 : i32 to index
        %parallel_loop3A_433 = tpu.vector_load %arg11[%parallel_loop3A_432] {strides = array<i32>} : memref<20480xf32, #tpu.memory_space<vmem>>, vector<16xf32>,
        %parallel_loop3A_434 = arith.maximumf %gather3A_317, %parallel_loop3A_427 : vector<16xf32>
        %parallel_loop3A_435 = arith.maximumf %gather3A_318, %parallel_loop3A_429 : vector<16xf32>
        %parallel_loop3A_436 = arith.minimumf %gather3A_319, %parallel_loop3A_431 : vector<16xf32>
        %parallel_loop3A_437 = arith.minimumf %gather3A_320, %parallel_loop3A_433 : vector<16xf32>
        %parallel_loop3A_438 = arith.subf %parallel_loop3A_436, %parallel_loop3A_434 : vector<16xf32>
        %parallel_loop3A_439 = arith.constant 0.000000e+00 : f32
        %parallel_loop3A_440 = vector.broadcast %parallel_loop3A_439 : f32 to vector<16xf32>
        %parallel_loop3A_441 = arith.maximumf %parallel_loop3A_438, %parallel_loop3A_440 : vector<16xf32>
        %parallel_loop3A_442 = arith.subf %parallel_loop3A_437, %parallel_loop3A_435 : vector<16xf32>
        %parallel_loop3A_443 = arith.constant 0.000000e+00 : f32
        %parallel_loop3A_444 = vector.broadcast %parallel_loop3A_443 : f32 to vector<16xf32>
        %parallel_loop3A_445 = arith.maximumf %parallel_loop3A_442, %parallel_loop3A_444 : vector<16xf32>
        %parallel_loop3A_446 = arith.mulf %parallel_loop3A_441, %parallel_loop3A_445 : vector<16xf32>
        %parallel_loop3A_447 = arith.subf %parallel_loop3A_431, %parallel_loop3A_427 : vector<16xf32>
        %parallel_loop3A_448 = arith.subf %parallel_loop3A_433, %parallel_loop3A_429 : vector<16xf32>
        %parallel_loop3A_449 = arith.mulf %parallel_loop3A_447, %parallel_loop3A_448 : vector<16xf32>
        %parallel_loop3A_450 = arith.addf %mul3A_322, %parallel_loop3A_449 : vector<16xf32>
        %parallel_loop3A_451 = arith.subf %parallel_loop3A_450, %parallel_loop3A_446 : vector<16xf32>
        %parallel_loop3A_452 = arith.constant 1.000000e-07 : f32
        %parallel_loop3A_453 = vector.broadcast %parallel_loop3A_452 : f32 to vector<16xf32>
        %parallel_loop3A_454 = arith.addf %parallel_loop3A_451, %parallel_loop3A_453 : vector<16xf32>
        %parallel_loop3A_455 = arith.divf %parallel_loop3A_446, %parallel_loop3A_454 : vector<16xf32>
        %parallel_loop3A_456 = arith.constant 16 : i32
        %parallel_loop3A_457 = arith.muli %parallel_loop3A_420, %parallel_loop3A_456 : i32
        %parallel_loop3A_458 = arith.addi %mul3A_0, %parallel_loop3A_457 : i32
        %parallel_loop3A_459 = vector.broadcast %parallel_loop3A_458 : i32 to vector<16xi32>
        %parallel_loop3A_460 = arith.addi %parallel_loop3A_459, %iota3A : vector<16xi32>
        %parallel_loop3A_461 = arith.constant 4.500000e-01 : f32
        %parallel_loop3A_462 = vector.broadcast %parallel_loop3A_461 : f32 to vector<16xf32>
        %parallel_loop3A_463 = arith.cmpf ogt, %parallel_loop3A_455, %parallel_loop3A_462 : vector<16xf32>
        %parallel_loop3A_464 = arith.cmpi eq, %parallel_loop3A_460, %convert_element_type3A_313 : vector<16xi32>
        %parallel_loop3A_465 = arith.ori %parallel_loop3A_463, %parallel_loop3A_464 : vector<16xi1>
        %parallel_loop3A_466 = arith.andi %parallel_loop3A_465, %gt3A_316 : vector<16xi1>
        %parallel_loop3A_467 = arith.index_cast %parallel_loop3A_422 : i32 to index
        %parallel_loop3A_468 = tpu.vector_load %arg12[%parallel_loop3A_467] {strides = array<i32>} : memref<1280xf32, #tpu.memory_space<vmem>>, vector<16xf32>,
        %parallel_loop3A_469 = arith.constant -1.000000e+00 : f32
        %parallel_loop3A_470 = vector.broadcast %parallel_loop3A_469 : f32 to vector<16xf32>
        %parallel_loop3A_471 = arith.select %parallel_loop3A_466, %parallel_loop3A_470, %parallel_loop3A_468 : vector<16xi1>, vector<16xf32>
        %parallel_loop3A_472 = arith.index_cast %parallel_loop3A_422 : i32 to index
        %parallel_loop3A_473 = tpu.vector_load %arg12[%parallel_loop3A_472] {strides = array<i32>} : memref<1280xf32, #tpu.memory_space<vmem>>, vector<16xf32>,
        tpu.vector_store %arg12[%parallel_loop3A_472], %parallel_loop3A_471 {strides = array<i32>} : memref<1280xf32, #tpu.memory_space<vmem>>, vector<16xf32>,
        %parallel_loop3A_474 = arith.cmpf ogt, %parallel_loop3A_471, %parallel_loop3A_354 : vector<16xf32>
        %parallel_loop3A_475 = arith.select %parallel_loop3A_474, %parallel_loop3A_471, %parallel_loop3A_354 : vector<16xi1>, vector<16xf32>
        %parallel_loop3A_476 = vector.broadcast %parallel_loop3A_420 : i32 to vector<16xi32>
        %parallel_loop3A_477 = arith.select %parallel_loop3A_474, %parallel_loop3A_476, %parallel_loop3A_355 : vector<16xi1>, vector<16xi32>
        %parallel_loop3A_478 = arith.constant 2 : i32
        %parallel_loop3A_479 = arith.addi %parallel_loop3A_351, %parallel_loop3A_478 : i32
        %parallel_loop3A_480 = arith.constant 16 : i32
        %parallel_loop3A_481 = arith.muli %parallel_loop3A_479, %parallel_loop3A_480 : i32
        %parallel_loop3A_482 = arith.constant 16 : i32
        %parallel_loop3A_483 = arith.muli %parallel_loop3A_479, %parallel_loop3A_482 : i32
        %parallel_loop3A_484 = arith.addi %mul3A_0, %parallel_loop3A_483 : i32
        %parallel_loop3A_485 = arith.index_cast %parallel_loop3A_484 : i32 to index
        %parallel_loop3A_486 = tpu.vector_load %arg8[%parallel_loop3A_485] {strides = array<i32>} : memref<20480xf32, #tpu.memory_space<vmem>>, vector<16xf32>,
        %parallel_loop3A_487 = arith.index_cast %parallel_loop3A_484 : i32 to index
        %parallel_loop3A_488 = tpu.vector_load %arg9[%parallel_loop3A_487] {strides = array<i32>} : memref<20480xf32, #tpu.memory_space<vmem>>, vector<16xf32>,
        %parallel_loop3A_489 = arith.index_cast %parallel_loop3A_484 : i32 to index
        %parallel_loop3A_490 = tpu.vector_load %arg10[%parallel_loop3A_489] {strides = array<i32>} : memref<20480xf32, #tpu.memory_space<vmem>>, vector<16xf32>,
        %parallel_loop3A_491 = arith.index_cast %parallel_loop3A_484 : i32 to index
        %parallel_loop3A_492 = tpu.vector_load %arg11[%parallel_loop3A_491] {strides = array<i32>} : memref<20480xf32, #tpu.memory_space<vmem>>, vector<16xf32>,
        %parallel_loop3A_493 = arith.maximumf %gather3A_317, %parallel_loop3A_486 : vector<16xf32>
        %parallel_loop3A_494 = arith.maximumf %gather3A_318, %parallel_loop3A_488 : vector<16xf32>
        %parallel_loop3A_495 = arith.minimumf %gather3A_319, %parallel_loop3A_490 : vector<16xf32>
        %parallel_loop3A_496 = arith.minimumf %gather3A_320, %parallel_loop3A_492 : vector<16xf32>
        %parallel_loop3A_497 = arith.subf %parallel_loop3A_495, %parallel_loop3A_493 : vector<16xf32>
        %parallel_loop3A_498 = arith.constant 0.000000e+00 : f32
        %parallel_loop3A_499 = vector.broadcast %parallel_loop3A_498 : f32 to vector<16xf32>
        %parallel_loop3A_500 = arith.maximumf %parallel_loop3A_497, %parallel_loop3A_499 : vector<16xf32>
        %parallel_loop3A_501 = arith.subf %parallel_loop3A_496, %parallel_loop3A_494 : vector<16xf32>
        %parallel_loop3A_502 = arith.constant 0.000000e+00 : f32
        %parallel_loop3A_503 = vector.broadcast %parallel_loop3A_502 : f32 to vector<16xf32>
        %parallel_loop3A_504 = arith.maximumf %parallel_loop3A_501, %parallel_loop3A_503 : vector<16xf32>
        %parallel_loop3A_505 = arith.mulf %parallel_loop3A_500, %parallel_loop3A_504 : vector<16xf32>
        %parallel_loop3A_506 = arith.subf %parallel_loop3A_490, %parallel_loop3A_486 : vector<16xf32>
        %parallel_loop3A_507 = arith.subf %parallel_loop3A_492, %parallel_loop3A_488 : vector<16xf32>
        %parallel_loop3A_508 = arith.mulf %parallel_loop3A_506, %parallel_loop3A_507 : vector<16xf32>
        %parallel_loop3A_509 = arith.addf %mul3A_322, %parallel_loop3A_508 : vector<16xf32>
        %parallel_loop3A_510 = arith.subf %parallel_loop3A_509, %parallel_loop3A_505 : vector<16xf32>
        %parallel_loop3A_511 = arith.constant 1.000000e-07 : f32
        %parallel_loop3A_512 = vector.broadcast %parallel_loop3A_511 : f32 to vector<16xf32>
        %parallel_loop3A_513 = arith.addf %parallel_loop3A_510, %parallel_loop3A_512 : vector<16xf32>
        %parallel_loop3A_514 = arith.divf %parallel_loop3A_505, %parallel_loop3A_513 : vector<16xf32>
        %parallel_loop3A_515 = arith.constant 16 : i32
        %parallel_loop3A_516 = arith.muli %parallel_loop3A_479, %parallel_loop3A_515 : i32
        %parallel_loop3A_517 = arith.addi %mul3A_0, %parallel_loop3A_516 : i32
        %parallel_loop3A_518 = vector.broadcast %parallel_loop3A_517 : i32 to vector<16xi32>
        %parallel_loop3A_519 = arith.addi %parallel_loop3A_518, %iota3A : vector<16xi32>
        %parallel_loop3A_520 = arith.constant 4.500000e-01 : f32
        %parallel_loop3A_521 = vector.broadcast %parallel_loop3A_520 : f32 to vector<16xf32>
        %parallel_loop3A_522 = arith.cmpf ogt, %parallel_loop3A_514, %parallel_loop3A_521 : vector<16xf32>
        %parallel_loop3A_523 = arith.cmpi eq, %parallel_loop3A_519, %convert_element_type3A_313 : vector<16xi32>
        %parallel_loop3A_524 = arith.ori %parallel_loop3A_522, %parallel_loop3A_523 : vector<16xi1>
        %parallel_loop3A_525 = arith.andi %parallel_loop3A_524, %gt3A_316 : vector<16xi1>
        %parallel_loop3A_526 = arith.index_cast %parallel_loop3A_481 : i32 to index
        %parallel_loop3A_527 = tpu.vector_load %arg12[%parallel_loop3A_526] {strides = array<i32>} : memref<1280xf32, #tpu.memory_space<vmem>>, vector<16xf32>,
        %parallel_loop3A_528 = arith.constant -1.000000e+00 : f32
        %parallel_loop3A_529 = vector.broadcast %parallel_loop3A_528 : f32 to vector<16xf32>
        %parallel_loop3A_530 = arith.select %parallel_loop3A_525, %parallel_loop3A_529, %parallel_loop3A_527 : vector<16xi1>, vector<16xf32>
        %parallel_loop3A_531 = arith.index_cast %parallel_loop3A_481 : i32 to index
        %parallel_loop3A_532 = tpu.vector_load %arg12[%parallel_loop3A_531] {strides = array<i32>} : memref<1280xf32, #tpu.memory_space<vmem>>, vector<16xf32>,
        tpu.vector_store %arg12[%parallel_loop3A_531], %parallel_loop3A_530 {strides = array<i32>} : memref<1280xf32, #tpu.memory_space<vmem>>, vector<16xf32>,
        %parallel_loop3A_533 = arith.cmpf ogt, %parallel_loop3A_530, %parallel_loop3A_356 : vector<16xf32>
        %parallel_loop3A_534 = arith.select %parallel_loop3A_533, %parallel_loop3A_530, %parallel_loop3A_356 : vector<16xi1>, vector<16xf32>
        %parallel_loop3A_535 = vector.broadcast %parallel_loop3A_479 : i32 to vector<16xi32>
        %parallel_loop3A_536 = arith.select %parallel_loop3A_533, %parallel_loop3A_535, %parallel_loop3A_357 : vector<16xi1>, vector<16xi32>
        %parallel_loop3A_537 = arith.constant 3 : i32
        %parallel_loop3A_538 = arith.addi %parallel_loop3A_351, %parallel_loop3A_537 : i32
        %parallel_loop3A_539 = arith.constant 16 : i32
        %parallel_loop3A_540 = arith.muli %parallel_loop3A_538, %parallel_loop3A_539 : i32
        %parallel_loop3A_541 = arith.constant 16 : i32
        %parallel_loop3A_542 = arith.muli %parallel_loop3A_538, %parallel_loop3A_541 : i32
        %parallel_loop3A_543 = arith.addi %mul3A_0, %parallel_loop3A_542 : i32
        %parallel_loop3A_544 = arith.index_cast %parallel_loop3A_543 : i32 to index
        %parallel_loop3A_545 = tpu.vector_load %arg8[%parallel_loop3A_544] {strides = array<i32>} : memref<20480xf32, #tpu.memory_space<vmem>>, vector<16xf32>,
        %parallel_loop3A_546 = arith.index_cast %parallel_loop3A_543 : i32 to index
        %parallel_loop3A_547 = tpu.vector_load %arg9[%parallel_loop3A_546] {strides = array<i32>} : memref<20480xf32, #tpu.memory_space<vmem>>, vector<16xf32>,
        %parallel_loop3A_548 = arith.index_cast %parallel_loop3A_543 : i32 to index
        %parallel_loop3A_549 = tpu.vector_load %arg10[%parallel_loop3A_548] {strides = array<i32>} : memref<20480xf32, #tpu.memory_space<vmem>>, vector<16xf32>,
        %parallel_loop3A_550 = arith.index_cast %parallel_loop3A_543 : i32 to index
        %parallel_loop3A_551 = tpu.vector_load %arg11[%parallel_loop3A_550] {strides = array<i32>} : memref<20480xf32, #tpu.memory_space<vmem>>, vector<16xf32>,
        %parallel_loop3A_552 = arith.maximumf %gather3A_317, %parallel_loop3A_545 : vector<16xf32>
        %parallel_loop3A_553 = arith.maximumf %gather3A_318, %parallel_loop3A_547 : vector<16xf32>
        %parallel_loop3A_554 = arith.minimumf %gather3A_319, %parallel_loop3A_549 : vector<16xf32>
        %parallel_loop3A_555 = arith.minimumf %gather3A_320, %parallel_loop3A_551 : vector<16xf32>
        %parallel_loop3A_556 = arith.subf %parallel_loop3A_554, %parallel_loop3A_552 : vector<16xf32>
        %parallel_loop3A_557 = arith.constant 0.000000e+00 : f32
        %parallel_loop3A_558 = vector.broadcast %parallel_loop3A_557 : f32 to vector<16xf32>
        %parallel_loop3A_559 = arith.maximumf %parallel_loop3A_556, %parallel_loop3A_558 : vector<16xf32>
        %parallel_loop3A_560 = arith.subf %parallel_loop3A_555, %parallel_loop3A_553 : vector<16xf32>
        %parallel_loop3A_561 = arith.constant 0.000000e+00 : f32
        %parallel_loop3A_562 = vector.broadcast %parallel_loop3A_561 : f32 to vector<16xf32>
        %parallel_loop3A_563 = arith.maximumf %parallel_loop3A_560, %parallel_loop3A_562 : vector<16xf32>
        %parallel_loop3A_564 = arith.mulf %parallel_loop3A_559, %parallel_loop3A_563 : vector<16xf32>
        %parallel_loop3A_565 = arith.subf %parallel_loop3A_549, %parallel_loop3A_545 : vector<16xf32>
        %parallel_loop3A_566 = arith.subf %parallel_loop3A_551, %parallel_loop3A_547 : vector<16xf32>
        %parallel_loop3A_567 = arith.mulf %parallel_loop3A_565, %parallel_loop3A_566 : vector<16xf32>
        %parallel_loop3A_568 = arith.addf %mul3A_322, %parallel_loop3A_567 : vector<16xf32>
        %parallel_loop3A_569 = arith.subf %parallel_loop3A_568, %parallel_loop3A_564 : vector<16xf32>
        %parallel_loop3A_570 = arith.constant 1.000000e-07 : f32
        %parallel_loop3A_571 = vector.broadcast %parallel_loop3A_570 : f32 to vector<16xf32>
        %parallel_loop3A_572 = arith.addf %parallel_loop3A_569, %parallel_loop3A_571 : vector<16xf32>
        %parallel_loop3A_573 = arith.divf %parallel_loop3A_564, %parallel_loop3A_572 : vector<16xf32>
        %parallel_loop3A_574 = arith.constant 16 : i32
        %parallel_loop3A_575 = arith.muli %parallel_loop3A_538, %parallel_loop3A_574 : i32
        %parallel_loop3A_576 = arith.addi %mul3A_0, %parallel_loop3A_575 : i32
        %parallel_loop3A_577 = vector.broadcast %parallel_loop3A_576 : i32 to vector<16xi32>
        %parallel_loop3A_578 = arith.addi %parallel_loop3A_577, %iota3A : vector<16xi32>
        %parallel_loop3A_579 = arith.constant 4.500000e-01 : f32
        %parallel_loop3A_580 = vector.broadcast %parallel_loop3A_579 : f32 to vector<16xf32>
        %parallel_loop3A_581 = arith.cmpf ogt, %parallel_loop3A_573, %parallel_loop3A_580 : vector<16xf32>
        %parallel_loop3A_582 = arith.cmpi eq, %parallel_loop3A_578, %convert_element_type3A_313 : vector<16xi32>
        %parallel_loop3A_583 = arith.ori %parallel_loop3A_581, %parallel_loop3A_582 : vector<16xi1>
        %parallel_loop3A_584 = arith.andi %parallel_loop3A_583, %gt3A_316 : vector<16xi1>
        %parallel_loop3A_585 = arith.index_cast %parallel_loop3A_540 : i32 to index
        %parallel_loop3A_586 = tpu.vector_load %arg12[%parallel_loop3A_585] {strides = array<i32>} : memref<1280xf32, #tpu.memory_space<vmem>>, vector<16xf32>,
        %parallel_loop3A_587 = arith.constant -1.000000e+00 : f32
        %parallel_loop3A_588 = vector.broadcast %parallel_loop3A_587 : f32 to vector<16xf32>
        %parallel_loop3A_589 = arith.select %parallel_loop3A_584, %parallel_loop3A_588, %parallel_loop3A_586 : vector<16xi1>, vector<16xf32>
        %parallel_loop3A_590 = arith.index_cast %parallel_loop3A_540 : i32 to index
        %parallel_loop3A_591 = tpu.vector_load %arg12[%parallel_loop3A_590] {strides = array<i32>} : memref<1280xf32, #tpu.memory_space<vmem>>, vector<16xf32>,
        tpu.vector_store %arg12[%parallel_loop3A_590], %parallel_loop3A_589 {strides = array<i32>} : memref<1280xf32, #tpu.memory_space<vmem>>, vector<16xf32>,
        %parallel_loop3A_592 = arith.cmpf ogt, %parallel_loop3A_589, %parallel_loop3A_358 : vector<16xf32>
        %parallel_loop3A_593 = arith.select %parallel_loop3A_592, %parallel_loop3A_589, %parallel_loop3A_358 : vector<16xi1>, vector<16xf32>
        %parallel_loop3A_594 = vector.broadcast %parallel_loop3A_538 : i32 to vector<16xi32>
        %parallel_loop3A_595 = arith.select %parallel_loop3A_592, %parallel_loop3A_594, %parallel_loop3A_359 : vector<16xi1>, vector<16xi32>
        scf.yield %parallel_loop3A_416, %parallel_loop3A_418, %parallel_loop3A_475, %parallel_loop3A_477, %parallel_loop3A_534, %parallel_loop3A_536, %parallel_loop3A_593, %parallel_loop3A_595 : vector<16xf32>, vector<16xi32>, vector<16xf32>, vector<16xi32>, vector<16xf32>, vector<16xi32>, vector<16xf32>, vector<16xi32>
      } {sc.loop_unroll_factor = 1 : i64, sc.parallel_access}
      %gt3A_327 = arith.cmpf ogt, %parallel_loop3A_326#2, %parallel_loop3A_326#0 : vector<16xf32>
      %eq3A_328 = arith.cmpf oeq, %parallel_loop3A_326#2, %parallel_loop3A_326#0 : vector<16xf32>
      %lt3A_329 = arith.cmpi slt, %parallel_loop3A_326#3, %parallel_loop3A_326#1 : vector<16xi32>
      %and3A_330 = arith.andi %eq3A_328, %lt3A_329 : vector<16xi1>
      %or3A_331 = arith.ori %gt3A_327, %and3A_330 : vector<16xi1>
      %select_n3A_332 = arith.select %or3A_331, %parallel_loop3A_326#2, %parallel_loop3A_326#0 : vector<16xi1>, vector<16xf32>
      %select_n3A_333 = arith.select %or3A_331, %parallel_loop3A_326#3, %parallel_loop3A_326#1 : vector<16xi1>, vector<16xi32>
      %gt3A_334 = arith.cmpf ogt, %parallel_loop3A_326#6, %parallel_loop3A_326#4 : vector<16xf32>
      %eq3A_335 = arith.cmpf oeq, %parallel_loop3A_326#6, %parallel_loop3A_326#4 : vector<16xf32>
      %lt3A_336 = arith.cmpi slt, %parallel_loop3A_326#7, %parallel_loop3A_326#5 : vector<16xi32>
      %and3A_337 = arith.andi %eq3A_335, %lt3A_336 : vector<16xi1>
      %or3A_338 = arith.ori %gt3A_334, %and3A_337 : vector<16xi1>
      %select_n3A_339 = arith.select %or3A_338, %parallel_loop3A_326#6, %parallel_loop3A_326#4 : vector<16xi1>, vector<16xf32>
      %select_n3A_340 = arith.select %or3A_338, %parallel_loop3A_326#7, %parallel_loop3A_326#5 : vector<16xi1>, vector<16xi32>
      %gt3A_341 = arith.cmpf ogt, %select_n3A_339, %select_n3A_332 : vector<16xf32>
      %eq3A_342 = arith.cmpf oeq, %select_n3A_339, %select_n3A_332 : vector<16xf32>
      %lt3A_343 = arith.cmpi slt, %select_n3A_340, %select_n3A_333 : vector<16xi32>
      %and3A_344 = arith.andi %eq3A_342, %lt3A_343 : vector<16xi1>
      %or3A_345 = arith.ori %gt3A_341, %and3A_344 : vector<16xi1>
      %select_n3A_346 = arith.select %or3A_345, %select_n3A_339, %select_n3A_332 : vector<16xi1>, vector<16xf32>
      %select_n3A_347 = arith.select %or3A_345, %select_n3A_340, %select_n3A_333 : vector<16xi1>, vector<16xi32>
      %convert_element_type3A_348 = arith.extui %and3A : i1 to i32
      %cond3A_349 = arith.constant 0 : i32
      %cond3A_350 = arith.cmpi ne, %convert_element_type3A_348, %cond3A_349 : i32
      scf.if %cond3A_350 {
        %jit3A_351 = arith.constant 1.000000e+00 : f32
        %jit3A_352 = arith.constant 0.000000e+00 : f32
        %broadcast_in_dim3A_353 = vector.broadcast %jit3A_351 : f32 to vector<16xf32>
        %broadcast_in_dim3A_354 = vector.broadcast %jit3A_352 : f32 to vector<16xf32>
        %select_n3A_355 = arith.select %gt3A_316, %broadcast_in_dim3A_353, %broadcast_in_dim3A_354 : vector<16xi1>, vector<16xf32>
        %eq3A_356 = arith.constant 0 : i32
        %eq3A_357 = vector.broadcast %eq3A_356 : i32 to vector<16xi32>
        %eq3A_358 = arith.cmpi eq, %iota3A, %eq3A_357 : vector<16xi32>
        %mul3A_359 = arith.mulf %gather3A_317, %select_n3A_355 : vector<16xf32>
        %eq3A_360 = arith.constant 1 : i32
        %eq3A_361 = vector.broadcast %eq3A_360 : i32 to vector<16xi32>
        %eq3A_362 = arith.cmpi eq, %iota3A, %eq3A_361 : vector<16xi32>
        %mul3A_363 = arith.mulf %gather3A_318, %select_n3A_355 : vector<16xf32>
        %eq3A_364 = arith.constant 2 : i32
        %eq3A_365 = vector.broadcast %eq3A_364 : i32 to vector<16xi32>
        %eq3A_366 = arith.cmpi eq, %iota3A, %eq3A_365 : vector<16xi32>
        %mul3A_367 = arith.mulf %gather3A_319, %select_n3A_355 : vector<16xf32>
        %eq3A_368 = arith.constant 3 : i32
        %eq3A_369 = vector.broadcast %eq3A_368 : i32 to vector<16xi32>
        %eq3A_370 = arith.cmpi eq, %iota3A, %eq3A_369 : vector<16xi32>
        %mul3A_371 = arith.mulf %gather3A_320, %select_n3A_355 : vector<16xf32>
        %eq3A_372 = arith.constant 4 : i32
        %eq3A_373 = vector.broadcast %eq3A_372 : i32 to vector<16xi32>
        %eq3A_374 = arith.cmpi eq, %iota3A, %eq3A_373 : vector<16xi32>
        %mul3A_375 = arith.mulf %max3A_252, %select_n3A_355 : vector<16xf32>
        %jit3A_376 = arith.constant 0.000000e+00 : f32
        %broadcast_in_dim3A_377 = vector.broadcast %jit3A_376 : f32 to vector<16xf32>
        %select_n3A_378 = arith.select %eq3A_374, %mul3A_375, %broadcast_in_dim3A_377 : vector<16xi1>, vector<16xf32>
        %select_n3A_379 = arith.select %eq3A_370, %mul3A_371, %select_n3A_378 : vector<16xi1>, vector<16xf32>
        %select_n3A_380 = arith.select %eq3A_366, %mul3A_367, %select_n3A_379 : vector<16xi1>, vector<16xf32>
        %select_n3A_381 = arith.select %eq3A_362, %mul3A_363, %select_n3A_380 : vector<16xi1>, vector<16xf32>
        %select_n3A_382 = arith.select %eq3A_358, %mul3A_359, %select_n3A_381 : vector<16xi1>, vector<16xf32>
        %mul3A_383 = arith.constant 16 : i32
        %mul3A_384 = arith.muli %scan3A_47, %mul3A_383 : i32
        %add3A_385 = vector.broadcast %mul3A_384 : i32 to vector<16xi32>
        %add3A_386 = arith.addi %add3A_385, %iota3A : vector<16xi32>
        tpu.vector_store_idx %arg15[%add3A_386], %select_n3A_382 : memref<4800xf32, #tpu.memory_space<vmem>>[vector<16xi32>], vector<16xf32>,
      } else {
      }
      scf.yield %select_n3A_346, %select_n3A_347 : vector<16xf32>, vector<16xi32>
    }
    %scan3A_45 = arith.constant 300 : i32
    %convert_element_type3A = arith.extui %and3A : i1 to i32
    %cond3A = arith.constant 0 : i32
    %cond3A_46 = arith.cmpi ne, %convert_element_type3A, %cond3A : i32
    scf.if %cond3A_46 {
      "tpu.region"() ({
        %run_scoped3A = tpu.sem_alloc : memref<!tpu.dma_semaphore, #tpu.memory_space<semaphore_mem>>
        tpu.enqueue_dma source(%arg15 : memref<4800xf32, #tpu.memory_space<vmem>>) target(%arg7 : memref<4800xf32, #tpu.memory_space<hbm>>) target_semaphore(%run_scoped3A : memref<!tpu.dma_semaphore, #tpu.memory_space<semaphore_mem>>)
        tpu.wait_dma2 semaphore(%run_scoped3A : memref<!tpu.dma_semaphore, #tpu.memory_space<semaphore_mem>>) src(%arg15 : memref<4800xf32, #tpu.memory_space<vmem>>) dst(%arg7 : memref<4800xf32, #tpu.memory_space<hbm>>)
        tpu.yield
      }) : () -> ()
    } else {
    }
    return
  }
}

</mosaic_0001>

<sc_bundles>
// kernel: kernel.3.cloned.1.call-start
scs
__scs_entry_jumppad:
0x0: {  	(pc) =	sbr.rel $0x88, $3  }
0x1: {  	(tag) =	ssettag $0x0;
	lr =	simm.s32 $0x1  }
0x2: {  	[smem:$0x3F9F] =	sst lr;
	_ =	strace $0xD0000000  }
0x3: {  	_ = 	snop  }
0x4: {  	_ = 	snop  }
0x5: {  	_ = 	snop  }
0x6: {  	_ = 	snop  }
0x7: {  	_ = 	snop  }
__scs_overlays_trampoline_lowered:
0x8: {  	[smem:$0x3FAE] =	sst s0  }
0x9: {  	[smem:$0x3FAF] =	sst s1  }
0xa: {  	[smem:$0x3FB0] =	sst s2  }
0xb: {  	[smem:$0x3FB1] =	sst s3  }
0xc: {  	[smem:$0x3FB2] =	sst s4  }
0xd: {  	[smem:$0x3FB3] =	sst s5  }
0xe: {  	[smem:$0x3FB4] =	sst s6  }
0xf: {  	[smem:$0x3FB5] =	sst s7  }
0x10: {  	[smem:$0x3FB6] =	sst s8  }
0x11: {  	[smem:$0x3FB7] =	sst s9;
	s0 =	simm.s32 @!p0 $0x0  }
0x12: {  	s1 =	sld [smem:$0x3F9D];
	s0 =	simm.s32 @p0 $0x1  }
0x13: {  	[smem:$0x3FB8] =	sst s0;
	s0 =	simm.s32 @!p1 $0x0  }
0x14: {  	s2 =	sld [smem:$0x3F9C];
	s0 =	simm.s32 @p1 $0x1  }
0x15: {  	[smem:$0x3FB9] =	sst s0;
	s0 =	simm.s32 @!p2 $0x0  }
0x16: {  	s3 =	sld [smem:$0x3FDB];
	s0 =	simm.s32 @p2 $0x1  }
0x17: {  	s4 =	simm.s32 $0x1BF5;
	[smem:$0x3FBB] =	sst s0  }
0x18: {  	s0 =	sld [smem:$0x3F9E];
	_ =	swait.ge [sflag:s4], $0x0  }
0x19: {  	s7 =	sld [smem:$0x3F9F]  }
0x1a: {  	s8 =	sadd.s32 $0xFFFFE003, lr  }
0x1b: {  	s9 =	sadd.s32 $0xFFFFFEF7, lr;
	s5 =	simm.s32 $0xFFFFFFFF;
	p2 =	slt.u32 s8, $0xFFFFF086  }
0x1c: {  	p1 =	slt.u32 s9, $0xF7A;
	s5 =	simm.s32 @!p2 $0x0  }
0x1d: {  	s5 =	simm.s32 @p1 $0x1;
	p0 =	seq.s32 s7, s2  }
0x1e: {  	s7 =	smul.u32 @!p0 $0xF7A, s2;
	p2 =	seq.s32 @!p0 s5, $0x0  }
0x1f: {  	s9 =	smul.u32 $0xF7A, s1;
	s8 =	simm.s32 @!p0 $0x1BF5;
	p2 =	por !p2, p0  }
0x20: {  	[sflag:s8] =	ssyncset.s32 @!p0 $0xFFFFF086;
	s6 =	sadd.s32 @!p0 s3, s7;
	s7 =	simm.s32 @!p0 $0x108  }
0x21: {  	s3 =	sadd.s32 s3, s9;
	s6 =	sadd.s32 @!p0 $0x88, s6;
	s7 =	simm.s32 @p2 $0x1082  }
0x22: {  	[simem:s7], [sflag:s8] =	dma.local @!p0 [hbm:s6], $0xF7A  }
0x23: {  	s9 =	sor.u32 $0xD0000000, s2;
	s6 =	simm.s32 $0x108;
	_ =	swait.ge @!p0 [sflag:s8], $0x0  }
0x24: {  	s3 =	sadd.s32 $0x88, s3;
	s6 =	simm.s32 @!p1 $0x1082;
	[sflag:s4] =	ssyncset.s32 $0xFFFFF086  }
0x25: {  	[simem:s6], [sflag:s4] =	dma.local [hbm:s3], $0xF7A  }
0x26: {  	[smem:$0x3F9F] =	sst s1;
	(tag) =	ssettag s2;
	_ =	strace s9  }
0x27: {  	s1 =	sld [smem:$0x3FAF]  }
0x28: {  	s2 =	sld [smem:$0x3FB0]  }
0x29: {  	s4 =	sld [smem:$0x3FB2]  }
0x2a: {  	p0 =	seq.s32 s5, $0x0;
	s5 =	sld [smem:$0x3FB3]  }
0x2b: {  	s6 =	sld [smem:$0x3FB4]  }
0x2c: {  	s7 =	sld [smem:$0x3FB5]  }
0x2d: {  	s3 =	simm.s32 $0x108;
	s8 =	sld [smem:$0x3FB6]  }
0x2e: {  	s3 =	simm.s32 @!p0 $0x1082;
	s9 =	sld [smem:$0x3FB7]  }
0x2f: {  	lr =	sadd.s32 s0, s3;
	s0 =	sld [smem:$0x3FAE]  }
0x30: {  	s3 =	sld [smem:$0x3FB1]  }
0x31: {  	[smem:$0x3FBA] =	sst s10  }
0x32: {  	s10 =	sld [smem:$0x3FB8];
	_ =	sdelay $0x3  }
0x33: {  	p0 =	seq.s32 s10, $0x1;
	s10 =	sld [smem:$0x3FBA];
	_ =	sdelay $0x3  }
0x34: {  	[smem:$0x3FBA] =	sst s10  }
0x35: {  	s10 =	sld [smem:$0x3FB9];
	_ =	sdelay $0x3  }
0x36: {  	p1 =	seq.s32 s10, $0x1;
	s10 =	sld [smem:$0x3FBA];
	_ =	sdelay $0x3  }
0x37: {  	[smem:$0x3FBA] =	sst s10  }
0x38: {  	s10 =	sld [smem:$0x3FBB]  }
0x39: {  	_ = 	snop;
	(pc) =	sbr.ind lr, $3  }
0x3a: {  	_ = 	snop  }
0x3b: {  	_ = 	snop  }
0x3c: {  	p2 =	seq.s32 s10, $0x1;
	s10 =	sld [smem:$0x3FBA]  }
0x3d: {  	_ =	shalt  }
0x3e: {  	_ =	shalt  }
0x3f: {  	_ =	shalt  }
0x40: {  	_ =	shalt  }
0x41: {  	_ =	shalt  }
0x42: {  	_ =	shalt  }
0x43: {  	_ =	shalt  }
0x44: {  	_ =	shalt  }
0x45: {  	_ =	shalt  }
0x46: {  	_ =	shalt  }
0x47: {  	_ =	shalt  }
0x48: {  	_ =	shalt  }
0x49: {  	_ =	shalt  }
0x4a: {  	_ =	shalt  }
0x4b: {  	_ =	shalt  }
0x4c: {  	_ =	shalt  }
0x4d: {  	_ =	shalt  }
0x4e: {  	_ =	shalt  }
0x4f: {  	_ =	shalt  }
0x50: {  	_ =	shalt  }
0x51: {  	_ =	shalt  }
0x52: {  	_ =	shalt  }
0x53: {  	_ =	shalt  }
0x54: {  	_ =	shalt  }
0x55: {  	_ =	shalt  }
0x56: {  	_ =	shalt  }
0x57: {  	_ =	shalt  }
0x58: {  	_ =	shalt  }
0x59: {  	_ =	shalt  }
0x5a: {  	_ =	shalt  }
0x5b: {  	_ =	shalt  }
0x5c: {  	_ =	shalt  }
0x5d: {  	_ =	shalt  }
0x5e: {  	_ =	shalt  }
0x5f: {  	_ =	shalt  }
0x60: {  	_ =	shalt  }
0x61: {  	_ =	shalt  }
0x62: {  	_ =	shalt  }
0x63: {  	_ =	shalt  }
0x64: {  	_ =	shalt  }
0x65: {  	_ =	shalt  }
0x66: {  	_ =	shalt  }
0x67: {  	_ =	shalt  }
0x68: {  	_ =	shalt  }
0x69: {  	_ =	shalt  }
0x6a: {  	_ =	shalt  }
0x6b: {  	_ =	shalt  }
0x6c: {  	_ =	shalt  }
0x6d: {  	_ =	shalt  }
0x6e: {  	_ =	shalt  }
0x6f: {  	_ =	shalt  }
0x70: {  	_ =	shalt  }
0x71: {  	_ =	shalt  }
0x72: {  	_ =	shalt  }
0x73: {  	_ =	shalt  }
0x74: {  	_ =	shalt  }
0x75: {  	_ =	shalt  }
0x76: {  	_ =	shalt  }
0x77: {  	_ =	shalt  }
0x78: {  	_ =	shalt  }
0x79: {  	_ =	shalt  }
0x7a: {  	_ =	shalt  }
0x7b: {  	_ =	shalt  }
0x7c: {  	_ =	shalt  }
0x7d: {  	_ =	shalt  }
0x7e: {  	_ =	shalt  }
0x7f: {  	_ =	shalt  }
0x80: {  	_ =	shalt  }
0x81: {  	_ =	shalt  }
0x82: {  	_ =	shalt  }
0x83: {  	_ =	shalt  }
0x84: {  	_ =	shalt  }
0x85: {  	_ =	shalt  }
0x86: {  	_ =	shalt  }
0x87: {  	_ =	shalt  }
.Lfunc_end0:
.L_simem_size_0:
called_computation_lowered:
.L_overlay_start_0:
0x88: {  	s2 =	sld [smem:$0x3FD9]  }
0x89: {  	s3 =	sld [smem:$0x3FFE];
	_ =	sdelay $0x1  }
0x8a: {  	s1 =	srdreg.scid  }
0x8b: {  	s0 =	sand.u32 $0x1, s1  }
0x8c: {  	s16 =	sshll.u32 s0, $0xA;
	s2 =	sadd.s32 s3, s2  }
0x8d: {  	s2 =	sadd.s32 s2, s16  }
0x8e: {  	[smem:$0x3FC6] =	sst s2  }
0x8f: {  	_ = 	snop  }
0x90: {  	(tm) =	ssettm $0x1  }
0x91: {  	s17 =	sld [smem:$0x3FFB];
	_ =	sdelay $0x3  }
0x92: {  	_ =	strace s17  }
0x93: {  	s2 =	sld [smem:$0x3FFC];
	_ =	sdelay $0x3  }
0x94: {  	_ =	strace s2  }
0x95: {  	s2 =	sld [smem:$0x3FFD];
	_ =	sdelay $0x3  }
0x96: {  	_ =	strace s2  }
0x97: {  	_ =	strace $0x8FFFFFFF  }
0x98: {  	s18 =	sld [smem:$0x3FDB];
	_ =	sdelay $0x1  }
0x99: {  	s19 =	simm.s32 $_scs_section_size  }
0x9a: {  	s4 =	simm.s32 $_size__tile_overlayer_lowered;
	s5 =	simm.s32 $_tile_overlayer_lowered  }
0x9b: {  	s22 =	simm.s32 $0x1BFF;
	s21 =	sshll.u32 s5, $0x1;
	s2 =	sadd.s32 s19, s18  }
0x9c: {  	s6 =	simm.s32 $0x0;
	s20 =	sshll.u32 s4, $0x1;
	s4 =	sadd.s32 s21, s2  }
0x9d: {  	[timem:s6], [sflag:s22] =	dma.local [hbm:s4], s20  }
0x9e: {  	_ =	swait.ge [sflag:s22], s20  }
0x9f: {  	s3 =	ssub.s32 $0x0, s20;
	[sflag:s22] =	ssyncset.done $0x0  }
0xa0: {  	[sflag:s22] =	ssyncadd.s32 s3;
	_ =	sdelay $0x1  }
0xa1: {  	s23 =	simm.s32 $0x1B8B  }
0xa2: {  	_ =	swait.ge [sflag:s23], $0x1  }
0xa3: {  	[sflag:s23] =	ssyncset.done $0x0  }
0xa4: {  	s25 =	simm.s32 $0x1B8E;
	s24 =	sld [smem:$0x3FFE];
	[sflag:s23] =	ssyncadd.s32 $0xFFFFFFFF  }
0xa5: {  	s26 =	simm.s32 $execute0_lowered;
	[smem:$0x3FD2] =	sst s25  }
0xa6: {  	s4 =	sshll.u32 s26, $0x1;
	_ =	strace $0x80000046;
	[dreg:$0x1] =	wrdreg $0xFFFFFFFF  }
0xa7: {  	s28 =	simm.s32 $_size_execute0_lowered;
	s2 =	sadd.s32 s2, s4;
	[dreg:$0x0] =	wrdreg $0x0  }
0xa8: {  	s4 =	sshll.u32 s28, $0x1;
	[dreg:$0x2] =	wrdreg s2  }
0xa9: {  	[dreg:$0x3] =	wrdreg s4  }
0xaa: {  	[dreg:$0x4] =	wrdreg $0xC0  }
0xab: {  	_ =	task [dreg:s6], $0x5FFFF  }
0xac: {  	[dreg:$0x1] =	wrdreg $0xFFFFFFFF  }
0xad: {  	[dreg:$0x0] =	wrdreg $0x60  }
0xae: {  	[dreg:$0x2] =	wrdreg s24  }
0xaf: {  	[dreg:$0x3] =	wrdreg $0x159800  }
0xb0: {  	[dreg:$0x4] =	wrdreg $0x9  }
0xb1: {  	_ =	task.clear_ibuf [dreg:s6], $0x5FFFF;
	_ =	strace $0x90000046  }
0xb2: {  	s29 =	simm.s32 $0x9;
	_ =	strace $0x80000048  }
0xb3: {  	_ =	swait.ge [sflag:s29], $0x1  }
0xb4: {  	[sflag:s29] =	ssyncadd.s32 $0xFFFFFFFF  }
0xb5: {  	_ =	strace $0x90000048  }
0xb6: {  	_ =	sfence  }
0xb7: {  	s30 =	sld [smem:$0x0];
	_ =	sdelay $0x2  }
0xb8: {  	s31 =	sshll.u32 s1, $0xD;
	s1 =	sshrl.u32 s1, $0x2  }
0xb9: {  	s3 =	sand.u32 $0x4000, s31;
	s1 =	sadd.s32 s1, s30  }
0xba: {  	s0 =	sor.u32 s3, s0;
	s1 =	sshll.u32 s1, $0x11  }
0xbb: {  	s0 =	sor.u32 s1, s0  }
0xbc: {  	s0 =	sadd.s32 $0x8F2B, s0  }
0xbd: {  	[sflag:s0] =	ssyncadd.remote.s32 $0x1  }
0xbe: {  	_ =	sfence.sel $0xFFFF  }
0xbf: {  	[dreg:$0x0] =	wrdreg $0xFFFFFFFF;
	(pc) =	sbr.abs _section_cstart, $3  }
0xc0: {  	[dreg:$0x1] =	wrdreg $0xFFFFFFFF  }
0xc1: {  	_ =	task.clear_ibuf [dreg:s6], $0x2FFFF;
	_ =	strace $0x9FFFFFFF  }
0xc2: {  	(tm) =	ssettm $0x7FFFFFFF  }
0xc3: {  	_ =	shalt  }
tec
execute0_lowered:
.L_overlay_start_1:
0x0: {  	(tag) =	ssettag $0x1  }
0x1: {  	v0 =	vimm.s32 $0xFEDCBA98;
	v2 =	vimm.s32 $0x76543210;
	v4 =	vimm.s32 $0x32107654  }
0x2: {  	v5 =	vimm.s32 $0xDCFE98BA;
	v6 =	vimm.s32 $0x54761032;
	v7 =	vimm.s32 $0xEFCDAB89  }
0x3: {  	s0 =	rddreg [dreg:$0x0];
	v8 =	vimm.s32 $0x67452301;
	vm0 =	vcmask $0x3F08;
	v1 =	vunpack.c.l.s4.s8 v0  }
0x4: {  	s1 =	simm.s32 $0x0;
	s5 =	stileid.u32;
	s21 =	srdreg.scid;
	vm1 =	vmmov $0x1;
	vm2 =	vcmask $0x3F14;
	vm3 =	vcmask $0x3F10  }
0x5: {  	[smem:$0x7FF] =	sst s1;
	v2 =	vunpack.c.l.s4.s8 v2;
	s2 =	sadd.s32 $0x2600, s0;
	s24 =	smul.u32 $0x500, s5;
	v3 =	vunpack.c.0.s8.s32 v1;
	v1 =	vimm.s32 $0xBA98FEDC  }
0x6: {  	v4 =	vunpack.c.l.s4.s8 v4;
	v5 =	vunpack.c.l.s4.s8 v5;
	s22 =	sadd.s32 $0x1200, s0;
	_ =	strace $0x80000047;
	[dreg:$0x9] =	wrdreg s2;
	v1 =	vunpack.c.l.s4.s8 v1  }
0x7: {  	s1 =	sand.u32 $0x1, s21;
	v6 =	vunpack.c.l.s4.s8 v6;
	v7 =	vunpack.c.l.s4.s8 v7;
	v8 =	vunpack.c.l.s4.s8 v8;
	s23 =	sadd.s32 $0x1C00, s0;
	[dreg:$0xa] =	wrdreg s22  }
0x8: {  	s3 =	sadd.s32 $0x800, s0;
	s30 =	sshll.u32 s5, $0x6;
	[dreg:$0xb] =	wrdreg s23;
	v4 =	vunpack.c.0.s8.s32 v4;
	v5 =	vunpack.c.0.s8.s32 v5;
	v1 =	vunpack.c.0.s8.s32 v1  }
0x9: {  	s25 =	ssub.s32 $0x2, s1;
	[dreg:$0xc] =	wrdreg s3;
	s31 =	sshrl.u32 s30, $0x2;
	v6 =	vunpack.c.0.s8.s32 v6;
	v7 =	vunpack.c.0.s8.s32 v7;
	v8 =	vunpack.c.0.s8.s32 v8  }
.Ltmp0:
0xa: {  	v0 =	vlaneseq.u32;
	s26 =	sshrl.u32 s24, $0x3;
	s4 =	sshrl.u32 s25, $0x1;
	v2 =	vunpack.c.0.s8.s32 v2;
	v4 =	vcombine.low v4, v1;
	(pc) =	sbr.rel .LBB2_1-.Ltmp0, $4  }
0xb: {  	[dreg:$0x10] =	wrdreg s31;
	s3 =	sadd.s32 s26, s0;
	s0 =	sadd.s32 $0x3A00, s0;
	v3 =	vand.u32 $0xF, v3;
	v5 =	vcombine.low v6, v5;
	v6 =	vcombine.low v8, v7  }
0xc: {  	s28 =	ssub.s32 s25, s4;
	[dreg:$0xd] =	wrdreg s0;
	s29 =	sadd.s32 $0x3000, s3;
	v2 =	vcombine.low v3, v2;
	v3 =	vand.u32 $0xF, v4;
	v4 =	vmul.u32 $0x10, v0  }
0xd: {  	vm4 =	vcmask $0x3F0C;
	s1 =	sor.u32 s5, s1;
	s0 =	smax.u32 s28, $0x1;
	v8 =	vimm.f32 $0.0e+00;
	[dreg:$0xe] =	wrdreg s29;
	v5 =	vand.u32 $0xF, v5  }
0xe: {  	p0 =	sne.s32 s1, $0x0;
	s1 =	simm.s32 $0x0;
	[dreg:$0xf] =	wrdreg s0;
	v6 =	vand.u32 $0xF, v6;
	v1 =	vor.u32 s24, v0;
	v7 =	vor.u32 $0x1, v4  }
.LBB2_12:
0xf: {  	s0 =	simm.s32 $0x0  }
0x10: {  	s1 =	rddreg [dreg:$0xd];
	s2 =	simm.s32 $0x14680;
	s31 =	simm.s32 $0x1  }
0x11: {  	[hbm4b:s1+s0] =	stream.linear.scatter [tilespmem:s2], [sflag:$0x1], $0x1300, $0x38;
	[tilespmem:$0x159A0] =	vst v63  }
0x12: {  	_ =	swait.ge [sflag:s31], $0x1300  }
0x13: {  	[sflag:s31] =	ssyncset.done $0x0  }
0x14: {  	[sflag:s31] =	ssyncadd.s32 $0xFFFFED00  }
.LBB2_13:
0x15: {  	s1 =	rddreg [dreg:$0x11]  }
0x16: {  	s0 =	rddreg [dreg:$0xf];
	s1 =	sadd.s32 $0x1, s1  }
0x17: {  	p1 =	sne.s32 s1, s0  }
.Ltmp1:
0x18: {  	_ = 	snop;
	(pc) =	sbr.rel @!p1 .LBB2_14-.Ltmp1, $1  }
0x19: {  	_ =	sdelay $0x3  }
.LBB2_1:
0x1a: {  	[dreg:$0x11] =	wrdreg s1  }
0x1b: {  	s0 =	simm.s32 $0x0;
	s22 =	rddreg [dreg:$0x9];
	s2 =	simm.s32 $0x1  }
0x1c: {  	[tilespmem:s0], [sflag:$0x1] =	stream.linear.gather [hbm4b:s22+s0], $0x5000, $0x38;
	[tilespmem:$0x159A0] =	vst v63  }
0x1d: {  	_ =	swait.ge [sflag:s2], $0x5000  }
0x1e: {  	[sflag:s2] =	ssyncset.done $0x0  }
0x1f: {  	s3 =	simm.s32 $0x5000;
	s23 =	rddreg [dreg:$0xa];
	[sflag:s2] =	ssyncadd.s32 $0xFFFFB000  }
0x20: {  	[tilespmem:s3], [sflag:$0x1] =	stream.linear.gather [hbm4b:s23+s0], $0x5000, $0x38;
	[tilespmem:$0x159A0] =	vst v63  }
0x21: {  	_ =	swait.ge [sflag:s2], $0x5000  }
0x22: {  	[sflag:s2] =	ssyncset.done $0x0  }
0x23: {  	s26 =	simm.s32 $0xA000;
	s25 =	rddreg [dreg:$0xb];
	[sflag:s2] =	ssyncadd.s32 $0xFFFFB000  }
0x24: {  	[tilespmem:s26], [sflag:$0x1] =	stream.linear.gather [hbm4b:s25+s0], $0x5000, $0x38;
	[tilespmem:$0x159A0] =	vst v63  }
0x25: {  	_ =	swait.ge [sflag:s2], $0x5000  }
0x26: {  	[sflag:s2] =	ssyncset.done $0x0  }
0x27: {  	s29 =	simm.s32 $0xF000;
	s28 =	rddreg [dreg:$0xc];
	[sflag:s2] =	ssyncadd.s32 $0xFFFFB000  }
0x28: {  	[tilespmem:s29], [sflag:$0x1] =	stream.linear.gather [hbm4b:s28+s0], $0x5000, $0x38;
	[tilespmem:$0x159A0] =	vst v63  }
0x29: {  	_ =	swait.ge [sflag:s2], $0x5000  }
0x2a: {  	[sflag:s2] =	ssyncset.done $0x0  }
0x2b: {  	s31 =	simm.s32 $0x14000;
	s30 =	rddreg [dreg:$0xe];
	[sflag:s2] =	ssyncadd.s32 $0xFFFFB000  }
0x2c: {  	[tilespmem:s31], [sflag:$0x1] =	stream.linear.gather [hbm4b:s30+s0], $0x500, $0x38;
	[tilespmem:$0x159A0] =	vst v63  }
0x2d: {  	_ =	swait.ge [sflag:s2], $0x500  }
0x2e: {  	[sflag:s2] =	ssyncset.done $0x0  }
0x2f: {  	s0 =	simm.s32 $0x0;
	[sflag:s2] =	ssyncadd.s32 $0xFFFFFB00  }
0x30: {  	v9 =	vld [tilespmem:s0+$0xA000]  }
0x31: {  	v10 =	vld [tilespmem:s0+$0xF000];
	_ =	sdelay $0x2  }
0x32: {  	v11 =	vld [tilespmem:s0+$0x0]  }
0x33: {  	v12 =	vld [tilespmem:s0+$0x5000];
	v9 =	vmul.f32 $1.000000000e+02, v9  }
0x34: {  	v10 =	vmul.f32 $1.000000000e+02, v10  }
0x35: {  	v9 =	vadd.f32 $2.000000000e+00, v9  }
0x36: {  	v10 =	vadd.f32 $2.000000000e+00, v10  }
0x37: {  	v11 =	vmul.f32 $6.400000000e+02, v11;
	v13 =	vmul.f32 $5.000000000e-01, v9  }
0x38: {  	v12 =	vmul.f32 $6.400000000e+02, v12;
	v14 =	vmul.f32 $5.000000000e-01, v10  }
0x39: {  	v9 =	vadd.f32 v13, v11  }
0x3a: {  	v15 =	vadd.f32 v14, v12  }
0x3b: {  	s1 =	simm.s32 $0x10;
	v10 =	vsub.f32 v11, v13;
	v11 =	vsub.f32 v12, v14;
	[tilespmem:s0+$0xA000] =	vst v9  }
0x3c: {  	s2 =	simm.s32 $0x80;
	v9 =	vld [tilespmem:s1+$0xA000];
	[tilespmem:s0+$0xF000] =	vst v15  }
.LBB2_2:
0x3d: {  	p1 =	sne.s32 s2, $0x13FC0;
	v12 =	vld [tilespmem:s1+$0xF000];
	[tilespmem:s0+$0x5000] =	vst v11  }
0x3e: {  	[tilespmem:s0+$0x0] =	vst v10;
	s0 =	smov.u32 s1;
	_ =	sdelay $0x1  }
0x3f: {  	v10 =	vld [tilespmem:s0+$0x0]  }
0x40: {  	v11 =	vld [tilespmem:s0+$0x5000];
	v9 =	vmul.f32 $1.000000000e+02, v9  }
0x41: {  	v12 =	vmul.f32 $1.000000000e+02, v12  }
0x42: {  	v9 =	vadd.f32 $2.000000000e+00, v9  }
0x43: {  	v12 =	vadd.f32 $2.000000000e+00, v12  }
0x44: {  	v13 =	vmul.f32 $6.400000000e+02, v10;
	v9 =	vmul.f32 $5.000000000e-01, v9  }
.Ltmp2:
0x45: {  	v14 =	vmul.f32 $6.400000000e+02, v11;
	v12 =	vmul.f32 $5.000000000e-01, v12;
	(pc) =	sbr.rel @p1 .LBB2_2-.Ltmp2, $4  }
0x46: {  	v10 =	vsub.f32 v13, v9;
	v9 =	vadd.f32 v9, v13  }
0x47: {  	v11 =	vsub.f32 v14, v12;
	v12 =	vadd.f32 v12, v14  }
0x48: {  	s1 =	sshra.s32 s2, $0x2;
	[tilespmem:s0+$0xA000] =	vst v9  }
0x49: {  	s2 =	sadd.s32 $0x40, s2;
	v9 =	vld [tilespmem:s1+$0xA000];
	[tilespmem:s0+$0xF000] =	vst v12  }
0x4a: {  	_ = 	snop  }
0x4b: {  	v12 =	vld [tilespmem:s1+$0xF000];
	[tilespmem:s0+$0x5000] =	vst v11  }
0x4c: {  	[tilespmem:s0+$0x0] =	vst v10  }
0x4d: {  	v10 =	vld [tilespmem:s1+$0x0]  }
0x4e: {  	v9 =	vmul.f32 $1.000000000e+02, v9  }
0x4f: {  	v11 =	vld [tilespmem:s1+$0x5000]  }
0x50: {  	v12 =	vmul.f32 $1.000000000e+02, v12;
	v9 =	vadd.f32 $2.000000000e+00, v9;
	_ =	sdelay $0x1  }
0x51: {  	v10 =	vmul.f32 $6.400000000e+02, v10;
	v12 =	vadd.f32 $2.000000000e+00, v12;
	v9 =	vmul.f32 $5.000000000e-01, v9;
	_ =	sdelay $0x1  }
0x52: {  	v11 =	vmul.f32 $6.400000000e+02, v11;
	v12 =	vmul.f32 $5.000000000e-01, v12;
	v13 =	vadd.f32 v9, v10  }
0x53: {  	v9 =	vsub.f32 v10, v9  }
0x54: {  	v14 =	vadd.f32 v12, v11;
	[tilespmem:s1+$0xA000] =	vst v13  }
0x55: {  	v11 =	vsub.f32 v11, v12;
	[tilespmem:s1+$0x0] =	vst v9  }
0x56: {  	[tilespmem:s1+$0xF000] =	vst v14  }
0x57: {  	[tilespmem:s1+$0x5000] =	vst v11;
	s1 =	simm.s32 $0x14020  }
0x58: {  	v9 =	vld [tilespmem:s1+$0xFFFFFFE0]  }
0x59: {  	v12 =	vld [tilespmem:s1+$0x0]  }
0x5a: {  	v11 =	vld [tilespmem:s1+$0x10]  }
0x5b: {  	v13 =	vld [tilespmem:s1+$0xFFFFFFF0];
	_ =	sdelay $0x1  }
0x5c: {  	s0 =	simm.s32 $0x14060;
	vm5 =	vgt.f32 v9, $2.500000000e-01  }
0x5d: {  	v10 =	vld [tilespmem:s0+$0xFFFFFFE0];
	vm6 =	vgt.f32 v12, $2.500000000e-01;
	v14 =	vnsel vm5, $0xBF800000, v9  }
0x5e: {  	vm5 =	vgt.f32 v11, $2.500000000e-01;
	v9 =	vld [tilespmem:s0+$0x10];
	v15 =	vnsel vm6, $0xBF800000, v12;
	[tilespmem:s1+$0xFFFFFFE0] =	vst v14  }
0x5f: {  	v12 =	vld [tilespmem:s0+$0xFFFFFFF0];
	v14 =	vnsel vm5, $0xBF800000, v11;
	vm5 =	vgt.f32 v13, $2.500000000e-01;
	[tilespmem:s1+$0x0] =	vst v15  }
0x60: {  	s2 =	simm.s32 $0x4;
	v11 =	vld [tilespmem:s0+$0x0];
	[tilespmem:s1+$0x10] =	vst v14;
	v13 =	vnsel vm5, $0xBF800000, v13  }
.LBB2_4:
0x61: {  	s2 =	sadd.s32 $0x4, s2  }
0x62: {  	[tilespmem:s1+$0xFFFFFFF0] =	vst v13;
	s1 =	smov.u32 s0;
	p1 =	slt.u32 s2, $0x4C  }
.Ltmp3:
0x63: {  	s0 =	sadd.s32 $0x40, s0;
	vm5 =	vgt.f32 v10, $2.500000000e-01;
	(pc) =	sbr.rel @p1 .LBB2_4-.Ltmp3, $4  }
0x64: {  	v13 =	vnsel vm5, $0xBF800000, v10;
	v10 =	vld [tilespmem:s0+$0xFFFFFFE0];
	vm5 =	vgt.f32 v9, $2.500000000e-01  }
0x65: {  	[tilespmem:s1+$0xFFFFFFE0] =	vst v13;
	vm6 =	vgt.f32 v11, $2.500000000e-01;
	v13 =	vnsel vm5, $0xBF800000, v9;
	v9 =	vld [tilespmem:s0+$0x10]  }
0x66: {  	vm5 =	vgt.f32 v12, $2.500000000e-01;
	v14 =	vnsel vm6, $0xBF800000, v11;
	v11 =	vld [tilespmem:s0+$0x0];
	[tilespmem:s1+$0x10] =	vst v13  }
0x67: {  	v13 =	vnsel vm5, $0xBF800000, v12;
	v12 =	vld [tilespmem:s0+$0xFFFFFFF0];
	[tilespmem:s1+$0x0] =	vst v14  }
0x68: {  	_ = 	snop  }
0x69: {  	vm5 =	vgt.f32 v10, $2.500000000e-01  }
0x6a: {  	[tilespmem:s1+$0xFFFFFFF0] =	vst v13;
	v10 =	vnsel vm5, $0xBF800000, v10;
	vm5 =	vgt.f32 v9, $2.500000000e-01  }
0x6b: {  	[tilespmem:s0+$0xFFFFFFE0] =	vst v10;
	vm6 =	vgt.f32 v11, $2.500000000e-01;
	v9 =	vnsel vm5, $0xBF800000, v9  }
0x6c: {  	vm5 =	vgt.f32 v12, $2.500000000e-01;
	v10 =	vnsel vm6, $0xBF800000, v11;
	[tilespmem:s0+$0x10] =	vst v9  }
0x6d: {  	v9 =	vnsel vm5, $0xBF800000, v12;
	[tilespmem:s0+$0x0] =	vst v10  }
0x6e: {  	s31 =	simm.s32 $0x14020;
	[tilespmem:s0+$0xFFFFFFF0] =	vst v9  }
0x6f: {  	v20 =	vld [tilespmem:s31+$0xFFFFFFE0]  }
0x70: {  	v13 =	vld [tilespmem:s31+$0xFFFFFFF0]  }
0x71: {  	v9 =	vld [tilespmem:s31+$0x0]  }
0x72: {  	v14 =	vimm.f32 $-3.000000010e+38;
	v15 =	vimm.s32 $0x0;
	v16 =	vld [tilespmem:s31+$0x10]  }
0x73: {  	v17 =	vimm.s32 $0x0;
	v18 =	vimm.s32 $0x0;
	v19 =	vimm.s32 $0x0  }
0x74: {  	s1 =	simm.s32 $0x4;
	s2 =	simm.s32 $0x14060;
	v11 =	vimm.f32 $-3.000000010e+38;
	v10 =	vimm.f32 $-3.000000010e+38;
	v12 =	vimm.f32 $-3.000000010e+38;
	s0 =	simm.s32 $0x0  }
.LBB2_6:
0x75: {  	v21 =	vld [tilespmem:s2+$0xFFFFFFE0];
	vm5 =	vgt.f32 v20, v14;
	v22 =	vmov v13;
	s3 =	smov.u32 s1;
	p1 =	slt.u32 s1, $0x4C  }
.Ltmp4:
0x76: {  	v13 =	vld [tilespmem:s2+$0xFFFFFFF0];
	v14 =	vsel vm5, v20, v14;
	v15 =	vsel vm5, s0, v15;
	v20 =	vmov v9;
	(pc) =	sbr.rel @p1 .LBB2_6-.Ltmp4, $4  }
0x77: {  	s4 =	sadd.s32 $0x1, s0;
	s5 =	sadd.s32 $0x2, s0;
	vm5 =	vgt.f32 v22, v10;
	v9 =	vld [tilespmem:s2+$0x0];
	vm6 =	vgt.f32 v20, v11;
	vm7 =	vgt.f32 v16, v12  }
0x78: {  	s1 =	sadd.s32 $0x4, s1;
	s0 =	sadd.s32 $0x3, s0;
	v10 =	vsel vm5, v22, v10;
	v11 =	vsel vm6, v20, v11;
	v12 =	vsel vm7, v16, v12;
	v16 =	vld [tilespmem:s2+$0x10]  }
0x79: {  	v17 =	vsel vm5, s4, v17;
	v18 =	vsel vm6, s5, v18;
	v19 =	vsel vm7, s0, v19;
	s0 =	smov.u32 s3  }
0x7a: {  	s2 =	sadd.s32 $0x40, s2;
	v20 =	vmov v21  }
0x7b: {  	vm5 =	vgt.f32 v20, v14  }
0x7c: {  	v14 =	vsel vm5, v20, v14;
	v15 =	vsel vm5, s0, v15  }
0x7d: {  	s2 =	sadd.s32 $0x2, s0;
	vm5 =	vgt.f32 v13, v10;
	vm6 =	vgt.f32 v9, v11;
	vm7 =	vgt.f32 v16, v12  }
0x7e: {  	s1 =	sadd.s32 $0x1, s0;
	s31 =	sadd.s32 $0x3, s0;
	v10 =	vsel vm5, v13, v10;
	v9 =	vsel vm6, v9, v11;
	v13 =	vsel vm6, s2, v18  }
0x7f: {  	v11 =	vsel vm7, v16, v12;
	v12 =	vsel vm5, s1, v17;
	v16 =	vsel vm7, s31, v19  }
0x80: {  	vm5 =	vgt.f32 v10, v14;
	vm6 =	veq.f32 v10, v14;
	vm7 =	vlt.s32 v12, v15  }
0x81: {  	vm8 =	vlt.s32 v16, v13;
	vm6 =	vmand vm6, vm7;
	vm7 =	veq.f32 v11, v9  }
0x82: {  	vm5 =	vmor vm5, vm6;
	vm6 =	vmand vm7, vm8;
	vm7 =	vgt.f32 v11, v9  }
0x83: {  	v10 =	vsel vm5, v10, v14;
	vm6 =	vmor vm7, vm6  }
.Ltmp5:
0x84: {  	v12 =	vsel vm5, v12, v15;
	v9 =	vsel vm6, v11, v9;
	v11 =	vsel vm6, v16, v13;
	(pc) =	sbr.rel .LBB2_8-.Ltmp5, $4  }
0x85: {  	vm5 =	veq.f32 v9, v10;
	vm6 =	vlt.s32 v11, v12  }
0x86: {  	vm7 =	vgt.f32 v9, v10;
	vm5 =	vmand vm5, vm6  }
0x87: {  	vm5 =	vmor vm7, vm5  }
0x88: {  	s1 =	simm.s32 $0x0;
	v14 =	vsel vm5, v9, v10;
	v15 =	vsel vm5, v11, v12  }
.LBB2_11:
0x89: {  	v16 =	vsel vm5, $0x3F800000, v8  }
0x8a: {  	s1 =	rddreg [dreg:$0x12];
	v9 =	vmul.f32 v16, v9  }
0x8b: {  	v13 =	vmul.f32 v13, v16;
	s0 =	sshll.u32 s1, $0x4;
	s1 =	sadd.s32 $0x1, s1  }
0x8c: {  	v12 =	vmul.f32 v12, v16;
	v17 =	vor.u32 s0, v0;
	p1 =	seq.s32 s1, $0x12C;
	v9 =	vsel vm2, $0x0, v9  }
.Ltmp6:
0x8d: {  	v11 =	vmul.f32 v11, v16;
	v9 =	vsel vm3, v9, v13;
	(pc) =	sbr.rel @p1 .LBB2_12-.Ltmp6, $4  }
0x8e: {  	v10 =	vmul.f32 v10, v16;
	v9 =	vsel vm4, v9, v12  }
0x8f: {  	v9 =	vsel vm0, v9, v11  }
0x90: {  	s31 =	simm.s32 $0x14680;
	v9 =	vsel vm1, v10, v9  }
0x91: {  	[tilespmem:v17+s31+$0x0] =	vst.idx.msk $0xffff, v9  }
.LBB2_8:
0x92: {  	v9 =	vperm.xlane v14, v2;
	_ =	sdelay $0x1  }
0x93: {  	v9 =	vmax.f32 v14, v9  }
0x94: {  	v10 =	vperm.xlane v9, v3;
	_ =	sdelay $0x1  }
0x95: {  	v9 =	vmax.f32 v9, v10  }
0x96: {  	v10 =	vperm.xlane v9, v5;
	_ =	sdelay $0x1  }
0x97: {  	v9 =	vmax.f32 v9, v10  }
0x98: {  	v10 =	vperm.xlane v9, v6;
	_ =	sdelay $0x1  }
0x99: {  	v11 =	vshll.u32 v15, $0x4;
	v9 =	vmax.f32 v9, v10  }
0x9a: {  	v10 =	vadd.s32 v1, v11;
	vm5 =	veq.f32 v14, v9  }
0x9b: {  	v10 =	vnsel vm5, $0x40000000, v10  }
0x9c: {  	v11 =	vperm.xlane v10, v2;
	_ =	sdelay $0x1  }
0x9d: {  	vm5 =	vlt.s32 v10, v11  }
0x9e: {  	v10 =	vsel vm5, v10, v11  }
0x9f: {  	v11 =	vperm.xlane v10, v3;
	_ =	sdelay $0x1  }
0xa0: {  	vm5 =	vlt.s32 v10, v11  }
0xa1: {  	v10 =	vsel vm5, v10, v11  }
0xa2: {  	v11 =	vperm.xlane v10, v5;
	_ =	sdelay $0x1  }
0xa3: {  	vm5 =	vlt.s32 v10, v11  }
0xa4: {  	v10 =	vsel vm5, v10, v11  }
0xa5: {  	v11 =	vperm.xlane v10, v6;
	_ =	sdelay $0x1  }
0xa6: {  	vm5 =	vlt.s32 v10, v11  }
0xa7: {  	v10 =	vsel vm5, v10, v11  }
0xa8: {  	v10 =	vcvt.s32.f32 v10  }
0xa9: {  	[dreg:$0x12] =	wrdreg s1;
	s0 =	sshll.u32 s1, $0x8  }
0xaa: {  	s3 =	rddreg [dreg:$0x1];
	s0 =	sand.u32 $0x100, s0;
	v10 =	vsel vm0, $0x0, v10  }
0xab: {  	s4 =	rddreg [dreg:$0x10];
	s0 =	sadd.s32 s0, s3;
	v9 =	vsel vm1, v9, v10  }
0xac: {  	s2 =	simm.s32 $0x14500;
	s5 =	simm.s32 $0x1;
	s1 =	sadd.s32 s4, s0;
	[tilespmem:$0x14500] =	vst v9  }
0xad: {  	[spmem:s1] =	stream.linear.scatter [tilespmem:s2], [sflag:$0x1], $0x10, $0x38;
	[tilespmem:$0x159A0] =	vst v63  }
0xae: {  	_ =	swait.ge [sflag:s5], $0x10  }
0xaf: {  	[sflag:s5] =	ssyncset.done $0x0  }
0xb0: {  	[sflag:s5] =	ssyncadd.s32 $0xFFFFFFF0  }
0xb1: {  	s6 =	simm.s32 $0x14580;
	[bflag:$0x0] =	sbarrier.arrive $0xFFFF  }
0xb2: {  	[tilespmem:s6], [sflag:$0x1] =	stream.linear.gather [spmem:s0], $0x100, $0x38;
	[tilespmem:$0x159A0] =	vst v63  }
0xb3: {  	_ =	swait.ge [sflag:s5], $0x100  }
0xb4: {  	[sflag:s5] =	ssyncset.done $0x0  }
0xb5: {  	[sflag:s5] =	ssyncadd.s32 $0xFFFFFF00  }
0xb6: {  	v10 =	vld.idx.msk [tilespmem:v4+s6+$0x0], $0xffff;
	_ =	sdelay $0x4  }
0xb7: {  	v9 =	vperm.xlane v10, v2;
	_ =	sdelay $0x1  }
0xb8: {  	v9 =	vmax.f32 v10, v9  }
0xb9: {  	v11 =	vperm.xlane v9, v3;
	_ =	sdelay $0x1  }
0xba: {  	v9 =	vmax.f32 v9, v11  }
0xbb: {  	v11 =	vperm.xlane v9, v5;
	_ =	sdelay $0x1  }
0xbc: {  	v12 =	vld.idx.msk [tilespmem:v7+s6+$0x0], $0xffff;
	v9 =	vmax.f32 v9, v11  }
0xbd: {  	v11 =	vperm.xlane v9, v6;
	_ =	sdelay $0x1  }
0xbe: {  	v9 =	vmax.f32 v9, v11  }
0xbf: {  	vm5 =	veq.f32 v10, v9  }
0xc0: {  	v10 =	vnsel vm5, $0x7F61B1E6, v12  }
0xc1: {  	v11 =	vperm.xlane v10, v2;
	_ =	sdelay $0x1  }
0xc2: {  	v10 =	vmin.f32 v10, v11  }
0xc3: {  	v11 =	vperm.xlane v10, v3;
	_ =	sdelay $0x1  }
0xc4: {  	v10 =	vmin.f32 v10, v11  }
0xc5: {  	v11 =	vperm.xlane v10, v5;
	_ =	sdelay $0x1  }
0xc6: {  	v10 =	vmin.f32 v10, v11  }
0xc7: {  	v11 =	vperm.xlane v10, v6;
	_ =	sdelay $0x1  }
0xc8: {  	v10 =	vmin.f32 v10, v11  }
0xc9: {  	v10 =	vtrunc.f32 v10  }
0xca: {  	v14 =	vcvt.f32.s32 v10  }
0xcb: {  	s9 =	simm.s32 $0x0;
	s0 =	sadd.s32 $0x0, s24  }
0xcc: {  	s11 =	sand.u32 $0x40, s9;
	s10 =	sand.u32 $0xFF80, s0  }
0xcd: {  	s1 =	sor.u32 s11, s10  }
0xce: {  	v15 =	vld [tilespmem:s1+$0x0]  }
0xcf: {  	v16 =	vld [tilespmem:s1+$0xF000]  }
0xd0: {  	s7 =	simm.s32 $0x5000;
	v10 =	vld.idx.msk [tilespmem:v14+s9+$0x0], $0xffff  }
0xd1: {  	s8 =	simm.s32 $0xA000;
	v11 =	vld.idx.msk [tilespmem:v14+s7+$0x0], $0xffff  }
0xd2: {  	s3 =	simm.s32 $0xF000;
	v12 =	vld.idx.msk [tilespmem:v14+s8+$0x0], $0xffff  }
0xd3: {  	v13 =	vld.idx.msk [tilespmem:v14+s3+$0x0], $0xffff  }
0xd4: {  	v17 =	vld [tilespmem:s1+$0xA000]  }
0xd5: {  	v18 =	vld [tilespmem:s1+$0x5000];
	_ =	sdelay $0x2  }
0xd6: {  	v19 =	vsub.f32 v12, v10;
	v20 =	vsub.f32 v13, v11  }
0xd7: {  	v21 =	vmin.f32 v13, v16;
	v22 =	vmax.f32 v10, v15;
	v23 =	vmin.f32 v12, v17  }
0xd8: {  	v24 =	vmax.f32 v11, v18;
	v17 =	vsub.f32 v17, v15;
	v16 =	vsub.f32 v16, v18  }
0xd9: {  	v18 =	vsub.f32 v23, v22;
	v21 =	vsub.f32 v21, v24  }
0xda: {  	v15 =	vmul.f32 v20, v19;
	v16 =	vmul.f32 v16, v17  }
0xdb: {  	v17 =	vmax.f32 v18, $0.0e+00;
	v18 =	vmax.f32 v21, $0.0e+00  }
0xdc: {  	v17 =	vmul.f32 v18, v17;
	v16 =	vadd.f32 v16, v15;
	_ =	sdelay $0x1  }
0xdd: {  	v16 =	vsub.f32 v16, v17;
	_ =	sdelay $0x1  }
0xde: {  	v16 =	vadd.f32 $1.000000010e-07, v16  }
0xdf: {  	s4 =	simm.s32 $0x40;
	s1 =	sadd.s32 $0x40, s24  }
0xe0: {  	s13 =	simm.s32 $0x40;
	s14 =	sand.u32 $0x40, s4;
	s12 =	sand.u32 $0xFF80, s1;
	(erf) = vrcp.f32 v16  }
0xe1: {  	[dreg:$0x4] =	wrdreg s13;
	s2 =	sor.u32 s14, s12  }
0xe2: {  	v19 =	vld [tilespmem:s2+$0xA000]  }
0xe3: {  	v20 =	vld [tilespmem:s2+$0x5000]  }
0xe4: {  	v16 =	vld [tilespmem:s2+$0x0]  }
0xe5: {  	v18 =	vld [tilespmem:s2+$0xF000];
	_ =	sdelay $0x2  }
0xe6: {  	vm5 =	vgt.f32 v9, $0.0e+00;
	v23 =	vmin.f32 v12, v19  }
0xe7: {  	s25 =	simm.s32 $0x14020;
	v24 =	vmax.f32 v11, v20;
	v22 =	vmax.f32 v10, v16;
	v16 =	vsub.f32 v19, v16;
	v21 =	vpop (erf)  }
0xe8: {  	s5 =	simm.s32 $0x80;
	s3 =	sadd.s32 $0x80, s24;
	v19 =	vld [tilespmem:s25+$0xFFFFFFE0];
	v17 =	vmul.f32 v21, v17;
	v21 =	vmin.f32 v13, v18;
	v18 =	vsub.f32 v18, v20  }
0xe9: {  	s16 =	simm.s32 $0x80;
	s17 =	sand.u32 $0x40, s5;
	s15 =	sand.u32 $0xFF80, s3;
	v22 =	vsub.f32 v23, v22;
	v20 =	vor.u32 s0, v0;
	v21 =	vsub.f32 v21, v24  }
0xea: {  	s4 =	sor.u32 s17, s15;
	[dreg:$0x3] =	wrdreg s16;
	vm7 =	veq.s32 v20, v14;
	v16 =	vmul.f32 v18, v16;
	vm6 =	vgt.f32 v17, $4.499999880e-01  }
0xeb: {  	v20 =	vld [tilespmem:s4+$0x0];
	v17 =	vmax.f32 v22, $0.0e+00;
	v18 =	vmax.f32 v21, $0.0e+00;
	vm6 =	vmor vm7, vm6  }
0xec: {  	s19 =	simm.s32 $0x10;
	s18 =	sadd.s32 $0x10, s0;
	v22 =	vld [tilespmem:s4+$0xA000];
	v17 =	vmul.f32 v18, v17;
	v16 =	vadd.f32 v16, v15;
	vm6 =	vmand vm5, vm6  }
0xed: {  	s6 =	sand.u32 $0xFF80, s18;
	s5 =	sand.u32 $0x50, s19;
	v21 =	vld [tilespmem:s4+$0xF000];
	v18 =	vsel vm6, $0xBF800000, v19  }
0xee: {  	s20 =	sor.u32 s5, s6;
	v19 =	vld [tilespmem:s4+$0x5000];
	v16 =	vsub.f32 v16, v17;
	[tilespmem:s25+$0xFFFFFFE0] =	vst v18  }
0xef: {  	v23 =	vld [tilespmem:s20+$0x5000]  }
0xf0: {  	v24 =	vld [tilespmem:s20+$0xF000];
	v16 =	vadd.f32 $1.000000010e-07, v16  }
0xf1: {  	v26 =	vld [tilespmem:s20+$0xA000]  }
0xf2: {  	v25 =	vld [tilespmem:s20+$0x0];
	v27 =	vmin.f32 v12, v22;
	(erf) = vrcp.f32 v16  }
0xf3: {  	v16 =	vmax.f32 v10, v20;
	v20 =	vsub.f32 v22, v20;
	v22 =	vsub.f32 v21, v19  }
0xf4: {  	v21 =	vmin.f32 v13, v21;
	v19 =	vmax.f32 v11, v19;
	v16 =	vsub.f32 v27, v16  }
0xf5: {  	v19 =	vsub.f32 v21, v19;
	v21 =	vmax.f32 v11, v23;
	v20 =	vmul.f32 v22, v20  }
0xf6: {  	v22 =	vmin.f32 v13, v24;
	v23 =	vsub.f32 v24, v23;
	v24 =	vmin.f32 v12, v26  }
0xf7: {  	v26 =	vsub.f32 v26, v25;
	v25 =	vmax.f32 v10, v25;
	v16 =	vmax.f32 v16, $0.0e+00  }
0xf8: {  	v19 =	vmax.f32 v19, $0.0e+00;
	v21 =	vsub.f32 v22, v21;
	v22 =	vsub.f32 v24, v25  }
0xf9: {  	v25 =	vmul.f32 v19, v16;
	v16 =	vmul.f32 v23, v26  }
0xfa: {  	v19 =	vadd.f32 v20, v15;
	v20 =	vmax.f32 v22, $0.0e+00;
	v21 =	vmax.f32 v21, $0.0e+00  }
0xfb: {  	v20 =	vmul.f32 v21, v20;
	v16 =	vadd.f32 v16, v15  }
0xfc: {  	v19 =	vsub.f32 v19, v25  }
0xfd: {  	v16 =	vsub.f32 v16, v20  }
0xfe: {  	v19 =	vadd.f32 $1.000000010e-07, v19  }
0xff: {  	v16 =	vadd.f32 $1.000000010e-07, v16  }
0x100: {  	s26 =	simm.s32 $0x14060;
	v21 =	vpop (erf);
	(erf) = vrcp.f32 v19  }
0x101: {  	s21 =	simm.s32 $0xC0;
	s8 =	sadd.s32 $0xC0, s24;
	v17 =	vmul.f32 v21, v17;
	(erf) = vrcp.f32 v16;
	v16 =	vld [tilespmem:s26+$0xFFFFFFE0]  }
0x102: {  	s5 =	sand.u32 $0x40, s21;
	s22 =	sand.u32 $0xFF80, s8;
	v19 =	vor.u32 s1, v0  }
0x103: {  	s4 =	sor.u32 s5, s22;
	vm7 =	veq.s32 v19, v14;
	vm6 =	vgt.f32 v17, $4.499999880e-01  }
0x104: {  	v22 =	vld [tilespmem:s4+$0xA000];
	vm6 =	vmor vm7, vm6  }
0x105: {  	s11 =	simm.s32 $0x50;
	s23 =	sadd.s32 $0x10, s1;
	v19 =	vld [tilespmem:s4+$0xF000];
	vm6 =	vmand vm5, vm6  }
0x106: {  	s6 =	sand.u32 $0x50, s11;
	s7 =	sand.u32 $0xFF80, s23;
	v17 =	vld [tilespmem:s4+$0x0];
	v21 =	vsel vm6, $0xBF800000, v16  }
0x107: {  	s12 =	sor.u32 s6, s7;
	v16 =	vld [tilespmem:s4+$0x5000];
	[tilespmem:s26+$0xFFFFFFE0] =	vst v21  }
0x108: {  	v23 =	vld [tilespmem:s12+$0x5000]  }
0x109: {  	v26 =	vpop (erf);
	v24 =	vld [tilespmem:s12+$0xF000]  }
0x10a: {  	v28 =	vld [tilespmem:s12+$0x0];
	v27 =	vpop (erf)  }
0x10b: {  	v31 =	vmin.f32 v12, v22;
	v30 =	vld [tilespmem:s12+$0xA000];
	v20 =	vmul.f32 v27, v20  }
0x10c: {  	v27 =	vmax.f32 v10, v17;
	v17 =	vsub.f32 v22, v17;
	v22 =	vsub.f32 v19, v16  }
0x10d: {  	v19 =	vmin.f32 v13, v19;
	v16 =	vmax.f32 v11, v16;
	v27 =	vsub.f32 v31, v27  }
0x10e: {  	v16 =	vsub.f32 v19, v16;
	v19 =	vmax.f32 v11, v23;
	v17 =	vmul.f32 v22, v17  }
0x10f: {  	v22 =	vmin.f32 v13, v24;
	v23 =	vsub.f32 v24, v23;
	v24 =	vmax.f32 v27, $0.0e+00  }
0x110: {  	v27 =	vmin.f32 v12, v30;
	v30 =	vsub.f32 v30, v28;
	v28 =	vmax.f32 v10, v28  }
0x111: {  	v29 =	vor.u32 s18, v0;
	v19 =	vsub.f32 v22, v19;
	v22 =	vsub.f32 v27, v28;
	v27 =	vld [tilespmem:s25+$0xFFFFFFF0]  }
0x112: {  	vm6 =	veq.s32 v29, v14;
	vm7 =	vgt.f32 v20, $4.499999880e-01;
	v16 =	vmax.f32 v16, $0.0e+00  }
0x113: {  	vm6 =	vmor vm6, vm7;
	v24 =	vmul.f32 v16, v24;
	v16 =	vmul.f32 v23, v30  }
0x114: {  	s13 =	sadd.s32 $0x20, s0;
	s14 =	simm.s32 $0x20;
	v17 =	vadd.f32 v17, v15;
	v19 =	vmax.f32 v19, $0.0e+00;
	v22 =	vmax.f32 v22, $0.0e+00  }
0x115: {  	s15 =	sand.u32 $0xFF80, s13;
	s4 =	sand.u32 $0x60, s14;
	vm6 =	vmand vm5, vm6;
	v29 =	vmul.f32 v19, v22;
	v16 =	vadd.f32 v16, v15  }
0x116: {  	s6 =	sor.u32 s4, s15;
	v17 =	vsub.f32 v17, v24;
	v28 =	vsel vm6, $0xBF800000, v27  }
0x117: {  	v34 =	vor.u32 s23, v0;
	v36 =	vor.u32 s3, v0;
	s4 =	sadd.s32 $0x30, s0;
	s0 =	sadd.s32 $0x30, s1;
	s1 =	sadd.s32 $0x20, s1;
	v16 =	vsub.f32 v16, v29;
	[tilespmem:s25+$0xFFFFFFF0] =	vst v28  }
0x118: {  	s16 =	sadd.s32 $0x10, s3;
	v33 =	vor.u32 s1, v0;
	vm7 =	veq.s32 v36, v14;
	v17 =	vadd.f32 $1.000000010e-07, v17;
	v31 =	vld [tilespmem:s6+$0x0]  }
0x119: {  	v30 =	vor.u32 s13, v0;
	v23 =	vor.u32 s16, v0;
	v20 =	vadd.f32 $1.000000010e-07, v16;
	v32 =	vld [tilespmem:s6+$0xA000]  }
0x11a: {  	s11 =	simm.s32 $0x100;
	s13 =	sadd.s32 $0x100, s24;
	v19 =	vimm.s32 $0x0;
	(erf) = vrcp.f32 v17;
	v16 =	vimm.f32 $-3.000000010e+38;
	v35 =	vld [tilespmem:s6+$0x5000]  }
0x11b: {  	s28 =	simm.s32 $0x140A0;
	s18 =	sand.u32 $0x40, s11;
	s17 =	sand.u32 $0xFF80, s13;
	v22 =	vor.u32 s4, v0;
	v37 =	vld [tilespmem:s6+$0xF000];
	vm6 =	vgt.f32 v18, v16;
	(erf) = vrcp.f32 v20  }
0x11c: {  	s2 =	sadd.s32 $0x30, s3;
	v40 =	vld [tilespmem:s28+$0xFFFFFFE0];
	s5 =	sadd.s32 $0x20, s3;
	v38 =	vsel vm6, v18, v16;
	v39 =	vsel vm6, s9, v19;
	v18 =	vmul.f32 v26, v25;
	s9 =	sor.u32 s18, s17  }
0x11d: {  	s7 =	sadd.s32 $0x30, s8;
	v27 =	vor.u32 s5, v0;
	v17 =	vor.u32 s2, v0;
	s6 =	sadd.s32 $0x20, s8;
	v25 =	vor.u32 s8, v0;
	s8 =	sadd.s32 $0x10, s8;
	v59 =	vld [tilespmem:s9+$0x0]  }
0x11e: {  	v20 =	vor.u32 s0, v0;
	v42 =	vld [tilespmem:s9+$0xF000];
	v36 =	vor.u32 s8, v0;
	vm6 =	vgt.f32 v18, $4.499999880e-01  }
0x11f: {  	v43 =	vld [tilespmem:s9+$0xA000];
	v26 =	vmax.f32 v10, v31;
	v41 =	vmin.f32 v12, v32;
	v31 =	vsub.f32 v32, v31  }
0x120: {  	v44 =	vld [tilespmem:s9+$0x5000];
	v18 =	vmax.f32 v11, v35;
	vm6 =	vmor vm7, vm6;
	v35 =	vsub.f32 v37, v35  }
0x121: {  	s19 =	simm.s32 $0x90;
	v58 =	vsub.f32 v41, v26;
	v26 =	vmin.f32 v13, v37;
	vm6 =	vmand vm5, vm6  }
0x122: {  	s11 =	sand.u32 $0x50, s19;
	s20 =	sand.u32 $0xFF80, s16;
	vm8 =	veq.s32 v25, v14;
	v18 =	vsub.f32 v26, v18;
	v40 =	vsel vm6, $0xBF800000, v40  }
0x123: {  	s9 =	sor.u32 s11, s20;
	v31 =	vmul.f32 v35, v31;
	vm6 =	veq.s32 v34, v14;
	v32 =	vmax.f32 v58, $0.0e+00;
	[tilespmem:s28+$0xFFFFFFE0] =	vst v40  }
0x124: {  	v37 =	vpop (erf);
	v63 =	vmin.f32 v13, v42;
	v46 =	vmax.f32 v10, v59;
	v48 =	vmin.f32 v12, v43;
	v62 =	vld [tilespmem:s9+$0x5000]  }
0x125: {  	v41 =	vsub.f32 v43, v59;
	v42 =	vsub.f32 v42, v44;
	v44 =	vmax.f32 v11, v44;
	v47 =	vld [tilespmem:s9+$0x0];
	v60 =	vpop (erf)  }
0x126: {  	v45 =	vmax.f32 v18, $0.0e+00;
	v31 =	vadd.f32 v31, v15;
	v50 =	vld [tilespmem:s9+$0xA000];
	v29 =	vmul.f32 v60, v29  }
0x127: {  	v61 =	vld [tilespmem:s26+$0xFFFFFFF0];
	v46 =	vsub.f32 v48, v46;
	v34 =	vsub.f32 v63, v44;
	v51 =	vmul.f32 v42, v41  }
0x128: {  	v24 =	vmul.f32 v37, v24;
	v32 =	vmul.f32 v45, v32;
	vm7 =	vgt.f32 v29, $4.499999880e-01;
	v29 =	vld [tilespmem:s9+$0xF000]  }
0x129: {  	v54 =	vmax.f32 v46, $0.0e+00;
	v34 =	vmax.f32 v34, $0.0e+00;
	v35 =	vadd.f32 v51, v15  }
0x12a: {  	v34 =	vmul.f32 v34, v54;
	v31 =	vsub.f32 v31, v32;
	v52 =	vmax.f32 v11, v62  }
0x12b: {  	v55 =	vmin.f32 v12, v50;
	v43 =	vsub.f32 v50, v47;
	vm6 =	vmor vm6, vm7  }
0x12c: {  	s21 =	simm.s32 $0x60;
	v47 =	vmax.f32 v10, v47;
	v31 =	vadd.f32 $1.000000010e-07, v31;
	vm6 =	vmand vm5, vm6  }
0x12d: {  	s1 =	sand.u32 $0xFF80, s1;
	s9 =	sand.u32 $0x60, s21;
	v44 =	vsel vm6, $0xBF800000, v61;
	v53 =	vmin.f32 v13, v29;
	v29 =	vsub.f32 v29, v62  }
0x12e: {  	v26 =	vor.u32 s6, v0;
	v56 =	vsub.f32 v55, v47;
	s9 =	sor.u32 s9, s1;
	[tilespmem:s26+$0xFFFFFFF0] =	vst v44;
	v41 =	vsub.f32 v53, v52  }
0x12f: {  	s23 =	simm.s32 $0x4;
	v35 =	vsub.f32 v35, v34;
	vm7 =	vgt.f32 v24, $4.499999880e-01;
	v57 =	vld [tilespmem:s9+$0x0];
	v29 =	vmul.f32 v29, v43  }
0x130: {  	(erf) = vrcp.f32 v31;
	v42 =	vmax.f32 v56, $0.0e+00;
	v58 =	vld [tilespmem:s9+$0xA000];
	[dreg:$0x5] =	wrdreg s23;
	v41 =	vmax.f32 v41, $0.0e+00  }
0x131: {  	vm7 =	vmor vm8, vm7;
	v31 =	vld [tilespmem:s9+$0xF000];
	v41 =	vmul.f32 v41, v42;
	v29 =	vadd.f32 v29, v15  }
0x132: {  	v18 =	vor.u32 s7, v0;
	vm6 =	vgt.f32 v21, v38;
	vm7 =	vmand vm5, vm7;
	v60 =	vld [tilespmem:s9+$0x5000]  }
0x133: {  	s22 =	simm.s32 $0x4;
	v38 =	vsel vm6, v21, v38;
	v21 =	vadd.f32 $1.000000010e-07, v35;
	v29 =	vsub.f32 v29, v41  }
0x134: {  	v59 =	vsel vm6, s22, v39;
	vm6 =	vgt.f32 v28, v16;
	v39 =	vor.u32 s13, v0  }
0x135: {  	s15 =	sadd.s32 $0x140, s24;
	s16 =	simm.s32 $0x140;
	(erf) = vrcp.f32 v21;
	v63 =	vmax.f32 v10, v57;
	v29 =	vadd.f32 $1.000000010e-07, v29  }
0x136: {  	s16 =	sand.u32 $0x40, s16;
	s17 =	simm.s32 $0x8;
	s18 =	sand.u32 $0xFF80, s15;
	v52 =	vmin.f32 v12, v58;
	v43 =	vsub.f32 v58, v57;
	v53 =	vmin.f32 v13, v31  }
0x137: {  	s16 =	sor.u32 s16, s18;
	[dreg:$0x6] =	wrdreg s17;
	v31 =	vsub.f32 v31, v60;
	(erf) = vrcp.f32 v29;
	v29 =	vmax.f32 v11, v60  }
0x138: {  	s12 =	simm.s32 $0x1;
	s14 =	sadd.s32 $0x10, s13;
	v61 =	vsel vm6, v28, v16;
	v24 =	vld [tilespmem:s16+$0xA000];
	v37 =	vsub.f32 v52, v63;
	v29 =	vsub.f32 v53, v29  }
0x139: {  	s11 =	sadd.s32 $0x30, s13;
	v62 =	vsel vm6, s12, v19;
	s12 =	sadd.s32 $0x20, s13;
	vm6 =	vgt.f32 v40, v38;
	s13 =	simm.s32 $0x8;
	v49 =	vld [tilespmem:s16+$0x5000];
	v31 =	vmul.f32 v31, v43  }
0x13a: {  	v42 =	vsel vm6, s13, v59;
	v59 =	vld [tilespmem:s16+$0xF000];
	v37 =	vmax.f32 v37, $0.0e+00;
	v29 =	vmax.f32 v29, $0.0e+00  }
0x13b: {  	s29 =	simm.s32 $0x140E0;
	v35 =	vor.u32 s14, v0;
	s22 =	sadd.s32 $0x30, s15;
	v57 =	vld [tilespmem:s16+$0x0];
	v43 =	vmul.f32 v29, v37;
	v29 =	vadd.f32 v31, v15  }
0x13c: {  	v25 =	vor.u32 s22, v0;
	v28 =	vor.u32 s12, v0;
	v21 =	vor.u32 s11, v0;
	v31 =	vld [tilespmem:s29+$0xFFFFFFE0]  }
0x13d: {  	v54 =	vsel vm6, v40, v38;
	s17 =	simm.s32 $0x5;
	vm6 =	vgt.f32 v44, v61;
	v58 =	vsub.f32 v29, v43  }
0x13e: {  	v38 =	vor.u32 s15, v0;
	v44 =	vsel vm6, v44, v61;
	v46 =	vsel vm6, s17, v62;
	v55 =	vpop (erf)  }
0x13f: {  	vm6 =	veq.s32 v23, v14;
	v32 =	vmul.f32 v55, v32;
	v23 =	vadd.f32 $1.000000010e-07, v58  }
0x140: {  	s19 =	simm.s32 $0xD0;
	s18 =	sadd.s32 $0x10, s15;
	v50 =	vmin.f32 v12, v24;
	v52 =	vmax.f32 v11, v49;
	v48 =	vsub.f32 v59, v49;
	v56 =	vpop (erf)  }
0x141: {  	s8 =	sand.u32 $0xFF80, s8;
	s13 =	sadd.s32 $0x20, s15;
	s15 =	sand.u32 $0x50, s19;
	v47 =	vsub.f32 v24, v57;
	v60 =	vpop (erf);
	(erf) = vrcp.f32 v23;
	v23 =	vsel vm7, $0xBF800000, v31  }
0x142: {  	s8 =	sor.u32 s15, s8;
	v63 =	vmax.f32 v10, v57;
	v40 =	vmul.f32 v56, v34;
	v34 =	vmul.f32 v60, v41;
	v31 =	vld [tilespmem:s28+$0xFFFFFFF0];
	[tilespmem:s29+$0xFFFFFFE0] =	vst v23  }
0x143: {  	v61 =	vmin.f32 v13, v59;
	v45 =	vsub.f32 v50, v63;
	v47 =	vmul.f32 v48, v47;
	v62 =	vld [tilespmem:s8+$0x5000]  }
0x144: {  	v41 =	vsub.f32 v61, v52;
	vm7 =	vgt.f32 v23, v54;
	vm15 =	vgt.f32 v34, $4.499999880e-01;
	v51 =	vld [tilespmem:s8+$0xF000]  }
0x145: {  	s16 =	simm.s32 $0xC;
	v37 =	vor.u32 s18, v0;
	v23 =	vsel vm7, v23, v54;
	v54 =	vld [tilespmem:s8+$0xA000];
	vm6 =	vmor vm6, vm15  }
0x146: {  	v24 =	vsel vm7, s16, v42;
	v55 =	vld [tilespmem:s8+$0x0];
	v41 =	vmax.f32 v41, $0.0e+00;
	vm6 =	vmand vm5, vm6  }
0x147: {  	s20 =	simm.s32 $0xA0;
	vm7 =	veq.s32 v30, v14;
	v49 =	vsel vm6, $0xBF800000, v31;
	v31 =	vmax.f32 v45, $0.0e+00  }
0x148: {  	s5 =	sand.u32 $0xFF80, s5;
	s21 =	sand.u32 $0x60, s20;
	v30 =	vld [tilespmem:s25+$0x0];
	vm6 =	vgt.f32 v32, $4.499999880e-01;
	v50 =	vmul.f32 v41, v31;
	v31 =	vadd.f32 v47, v15  }
0x149: {  	s5 =	sor.u32 s21, s5;
	v29 =	vor.u32 s13, v0;
	[tilespmem:s28+$0xFFFFFFF0] =	vst v49;
	vm7 =	vmor vm7, vm6;
	vm6 =	vgt.f32 v49, v44  }
0x14a: {  	v56 =	vmax.f32 v11, v62;
	v57 =	vmin.f32 v13, v51;
	v47 =	vld [tilespmem:s5+$0x0];
	v31 =	vsub.f32 v31, v50  }
0x14b: {  	v34 =	vsub.f32 v51, v62;
	v59 =	vld [tilespmem:s5+$0xA000];
	v60 =	vmin.f32 v12, v54;
	v42 =	vsub.f32 v54, v55  }
0x14c: {  	v61 =	vld [tilespmem:s5+$0x5000];
	v48 =	vmax.f32 v10, v55;
	vm7 =	vmand vm5, vm7;
	v31 =	vadd.f32 $1.000000010e-07, v31  }
0x14d: {  	s23 =	simm.s32 $0x30;
	v62 =	vld [tilespmem:s5+$0xF000];
	v32 =	vsub.f32 v57, v56;
	v30 =	vsel vm7, $0xBF800000, v30;
	v58 =	vpop (erf);
	v34 =	vmul.f32 v34, v42  }
0x14e: {  	s4 =	sand.u32 $0xFF80, s4;
	s1 =	sand.u32 $0x70, s23;
	v41 =	vmul.f32 v58, v43;
	v43 =	vsub.f32 v60, v48;
	(erf) = vrcp.f32 v31  }
0x14f: {  	s5 =	sor.u32 s1, s4;
	s4 =	simm.s32 $0x2;
	[tilespmem:s25+$0x0] =	vst v30;
	vm7 =	vgt.f32 v30, v16;
	v32 =	vmax.f32 v32, $0.0e+00;
	v56 =	vadd.f32 v34, v15  }
0x150: {  	v52 =	vld [tilespmem:s5+$0x0];
	v34 =	vsel vm7, s4, v19;
	v63 =	vmax.f32 v10, v47;
	v31 =	vmax.f32 v43, $0.0e+00  }
0x151: {  	s30 =	simm.s32 $0x140;
	v54 =	vld [tilespmem:s5+$0xA000];
	v57 =	vmin.f32 v12, v59;
	v47 =	vsub.f32 v59, v47;
	v58 =	vmax.f32 v11, v61  }
0x152: {  	s31 =	simm.s32 $0x14160;
	s10 =	simm.s32 $0xC0;
	s3 =	simm.s32 $0x100;
	v53 =	vmin.f32 v13, v62;
	v45 =	vsub.f32 v62, v61;
	v43 =	vmul.f32 v32, v31  }
0x153: {  	s20 =	simm.s32 $0x14;
	s21 =	sand.u32 $0xFF80, s7;
	s9 =	simm.s32 $0x9;
	v31 =	vsel vm7, v30, v16;
	v42 =	vsub.f32 v57, v63;
	v59 =	vsub.f32 v53, v58  }
0x154: {  	s23 =	sand.u32 $0xFF80, s22;
	s22 =	simm.s32 $0x18;
	[dreg:$0x7] =	wrdreg s20;
	v30 =	vsel vm6, v49, v44;
	v47 =	vmul.f32 v45, v47;
	v32 =	vsub.f32 v56, v43  }
0x155: {  	s19 =	sand.u32 $0xFF80, s6;
	s17 =	sand.u32 $0xFF80, s0;
	[dreg:$0x8] =	wrdreg s23;
	v61 =	vmax.f32 v10, v52;
	v42 =	vmax.f32 v42, $0.0e+00;
	v44 =	vmax.f32 v59, $0.0e+00  }
0x156: {  	s0 =	sand.u32 $0xFF80, s2;
	s15 =	sand.u32 $0xFF80, s12;
	s12 =	simm.s32 $0x14160;
	v48 =	vld [tilespmem:s5+$0x5000];
	v63 =	vmin.f32 v12, v54;
	v42 =	vmul.f32 v44, v42;
	v60 =	vadd.f32 $1.000000010e-07, v32  }
0x157: {  	s2 =	simm.s32 $0x0;
	s13 =	sand.u32 $0xFF80, s13;
	s8 =	simm.s32 $0x10;
	v45 =	vld [tilespmem:s5+$0xF000];
	v49 =	vadd.f32 v47, v15;
	v47 =	vsub.f32 v63, v61;
	v32 =	vsel vm6, s9, v46;
	v62 =	vpop (erf)  }
0x158: {  	s20 =	sand.u32 $0xFF80, s11;
	s23 =	simm.s32 $0x180;
	s4 =	simm.s32 $0x14120;
	v46 =	vsub.f32 v54, v52;
	(erf) = vrcp.f32 v60;
	v44 =	vmul.f32 v62, v50  }
.LBB2_9:
0x159: {  	s6 =	smov.u32 s24;
	s24 =	sadd.s32 s23, s24;
	vm6 =	veq.s32 v36, v14;
	v51 =	vld [tilespmem:s4+$0xFFFFFFE0];
	vm7 =	vgt.f32 v40, $4.499999880e-01  }
0x15a: {  	s11 =	smov.u32 s28;
	s28 =	sand.u32 $0x40, s23;
	vm8 =	veq.s32 v39, v14;
	vm14 =	veq.s32 v33, v14;
	s1 =	sand.u32 $0xFF80, s24;
	v50 =	vor.u32 s24, v0  }
0x15b: {  	s7 =	smov.u32 s26;
	v49 =	vsub.f32 v49, v42;
	s26 =	sadd.s32 $0x20, s24;
	v47 =	vmax.f32 v47, $0.0e+00;
	vm7 =	vmor vm8, vm7;
	s28 =	sor.u32 s28, s1  }
0x15c: {  	v53 =	vor.u32 s26, v0;
	v52 =	vmin.f32 v13, v45;
	v55 =	vld [tilespmem:s28+$0x5000];
	v58 =	vmax.f32 v11, v48  }
0x15d: {  	v36 =	vmovc v35;
	v35 =	vmovc v37;
	s9 =	sadd.s32 $0x30, s24;
	vm7 =	vmand vm5, vm7;
	v59 =	vsub.f32 v45, v48;
	v48 =	vld [tilespmem:s28+$0x0];
	v37 =	vsub.f32 v52, v58  }
0x15e: {  	v39 =	vmovc v38;
	s1 =	smov.u32 s16;
	s16 =	sadd.s32 $0x10, s24;
	v54 =	vor.u32 s9, v0;
	v38 =	vmovc v50;
	v49 =	vadd.f32 $1.000000010e-07, v49;
	v50 =	vld [tilespmem:s28+$0xA000];
	v61 =	vsel vm7, $0xBF800000, v51  }
0x15f: {  	s24 =	sand.u32 $0xFF80, s26;
	s26 =	sand.u32 $0xFF80, s9;
	s9 =	sadd.s32 $0x10, s3;
	v52 =	vld [tilespmem:s28+$0xF000];
	v45 =	vmul.f32 v59, v46;
	vm7 =	vgt.f32 v61, v23;
	v37 =	vmax.f32 v37, $0.0e+00  }
0x160: {  	s9 =	sand.u32 $0x50, s9;
	s28 =	sand.u32 $0xFF80, s14;
	v23 =	vsel vm7, v61, v23;
	v24 =	vsel vm7, s8, v24;
	v47 =	vmul.f32 v37, v47  }
0x161: {  	v46 =	vld [tilespmem:s29+$0xFFFFFFF0];
	[tilespmem:s4+$0xFFFFFFE0] =	vst v61;
	s9 =	sor.u32 s9, s28;
	v60 =	vpop (erf);
	v45 =	vadd.f32 v45, v15;
	(erf) = vrcp.f32 v49;
	v37 =	vor.u32 s16, v0  }
0x162: {  	v56 =	vld [tilespmem:s9+$0xF000];
	v57 =	vmax.f32 v11, v55;
	v43 =	vmul.f32 v60, v43;
	v63 =	vmax.f32 v10, v48  }
0x163: {  	v60 =	vmin.f32 v12, v50;
	v48 =	vsub.f32 v50, v48;
	v45 =	vsub.f32 v45, v47  }
0x164: {  	v40 =	vmovc v44;
	v50 =	vld [tilespmem:s9+$0x0];
	v62 =	vmin.f32 v13, v52;
	v44 =	vsub.f32 v60, v63;
	v61 =	vsub.f32 v52, v55  }
0x165: {  	v52 =	vld [tilespmem:s9+$0xA000];
	vm13 =	vgt.f32 v43, $4.499999880e-01;
	v49 =	vsub.f32 v62, v57;
	v45 =	vadd.f32 $1.000000010e-07, v45  }
0x166: {  	v43 =	vld [tilespmem:s9+$0x5000];
	vm7 =	vmor vm6, vm13;
	vm6 =	veq.s32 v22, v14;
	v62 =	vmul.f32 v61, v48  }
0x167: {  	v63 =	vmin.f32 v13, v56;
	vm7 =	vmand vm5, vm7;
	(erf) = vrcp.f32 v45  }
0x168: {  	v33 =	vmovc v27;
	s14 =	smov.u32 s18;
	s18 =	smov.u32 s16;
	s16 =	sadd.s32 $0x20, s10;
	v22 =	vmovc v20;
	v44 =	vmax.f32 v44, $0.0e+00;
	v49 =	vmax.f32 v49, $0.0e+00;
	v46 =	vsel vm7, $0xBF800000, v46  }
0x169: {  	s16 =	sand.u32 $0x60, s16;
	v20 =	vmovc v17;
	vm7 =	vgt.f32 v41, $4.499999880e-01;
	v44 =	vmul.f32 v49, v44;
	v61 =	vadd.f32 v62, v15;
	[tilespmem:s29+$0xFFFFFFF0] =	vst v46  }
0x16a: {  	s28 =	sor.u32 s16, s19;
	s19 =	smov.u32 s15;
	s16 =	rddreg [dreg:$0x4];
	v17 =	vmovc v18;
	v18 =	vmovc v21;
	vm8 =	vmor vm14, vm7;
	v62 =	vmin.f32 v12, v52;
	v52 =	vsub.f32 v52, v50;
	v45 =	vld [tilespmem:s7+$0x0]  }
0x16b: {  	s15 =	smov.u32 s13;
	s9 =	sadd.s32 $0x30, s16;
	s16 =	rddreg [dreg:$0x3];
	v21 =	vmovc v25;
	vm7 =	vgt.f32 v46, v30;
	v50 =	vmax.f32 v10, v50;
	v25 =	vmax.f32 v11, v43;
	v51 =	vld [tilespmem:s28+$0x0]  }
0x16c: {  	s13 =	smov.u32 s24;
	s24 =	smov.u32 s16;
	s16 =	rddreg [dreg:$0x8];
	v43 =	vsub.f32 v56, v43;
	v56 =	vld [tilespmem:s28+$0xA000];
	v49 =	vsub.f32 v61, v44;
	vm8 =	vmand vm5, vm8;
	v60 =	vpop (erf)  }
0x16d: {  	v27 =	vmovc v26;
	[dreg:$0x4] =	wrdreg s24;
	s24 =	smov.u32 s10;
	v48 =	vsub.f32 v63, v25;
	v41 =	vmul.f32 v60, v42;
	v42 =	vsub.f32 v62, v50  }
0x16e: {  	v26 =	vmovc v28;
	v28 =	vmovc v29;
	s9 =	sand.u32 $0x70, s9;
	[dreg:$0x3] =	wrdreg s24;
	v30 =	vsel vm7, v46, v30;
	v52 =	vmul.f32 v43, v52;
	v49 =	vadd.f32 $1.000000010e-07, v49  }
0x16f: {  	v29 =	vmovc v53;
	s24 =	sor.u32 s9, s17;
	s17 =	smov.u32 s0;
	s0 =	smov.u32 s21;
	v25 =	vmovc v54;
	v54 =	vld [tilespmem:s28+$0x5000];
	v50 =	vmax.f32 v48, $0.0e+00;
	v42 =	vmax.f32 v42, $0.0e+00;
	v45 =	vsel vm8, $0xBF800000, v45  }
0x170: {  	s21 =	smov.u32 s20;
	s20 =	smov.u32 s16;
	s16 =	smov.u32 s26;
	v53 =	vld [tilespmem:s25+$0x10];
	v55 =	vadd.f32 v52, v15;
	v63 =	vmax.f32 v10, v51;
	[tilespmem:s7+$0x0] =	vst v45;
	v61 =	vpop (erf);
	(erf) = vrcp.f32 v49  }
0x171: {  	p1 =	slt.u32 s22, $0x4C;
	[dreg:$0x8] =	wrdreg s16;
	v60 =	vmin.f32 v12, v56;
	v43 =	vmul.f32 v50, v42;
	v62 =	vld [tilespmem:s28+$0xF000];
	v47 =	vmul.f32 v61, v47  }
0x172: {  	s5 =	smov.u32 s22;
	s22 =	sadd.s32 $0x4, s22;
	s16 =	rddreg [dreg:$0x5];
	v51 =	vsub.f32 v56, v51;
	vm8 =	vgt.f32 v45, v31;
	v63 =	vsub.f32 v60, v63;
	v56 =	vld [tilespmem:s24+$0x0]  }
0x173: {  	s12 =	sadd.s32 $0x40, s12;
	s10 =	smov.u32 s3;
	s26 =	sadd.s32 $0x2, s16;
	v31 =	vsel vm8, v45, v31;
	v42 =	vsub.f32 v55, v43;
	v60 =	vld [tilespmem:s24+$0xA000];
	vm15 =	vgt.f32 v47, $4.499999880e-01  }
0x174: {  	s3 =	smov.u32 s30;
	s30 =	smov.u32 s23;
	s23 =	sadd.s32 $0x40, s23;
	v34 =	vsel vm8, s26, v34;
	v57 =	vmax.f32 v11, v54;
	vm6 =	vmor vm6, vm15  }
0x175: {  	s9 =	sadd.s32 $0x3, s2;
	s2 =	smov.u32 s16;
	s16 =	rddreg [dreg:$0x6];
	v46 =	vmax.f32 v63, $0.0e+00;
	v42 =	vadd.f32 $1.000000010e-07, v42;
	vm6 =	vmand vm5, vm6  }
0x176: {  	s26 =	smov.u32 s16;
	s16 =	smov.u32 s8;
	s28 =	smov.u32 s29;
	v59 =	vmin.f32 v13, v62;
	v61 =	vsub.f32 v62, v54;
	v53 =	vsel vm6, $0xBF800000, v53  }
.Ltmp7:
0x177: {  	[dreg:$0x5] =	wrdreg s26;
	s26 =	smov.u32 s1;
	v58 =	vmax.f32 v10, v56;
	v47 =	vsub.f32 v59, v57;
	vm6 =	vgt.f32 v53, v16;
	(pc) =	sbr.rel @p1 .LBB2_9-.Ltmp7, $4  }
0x178: {  	s29 =	smov.u32 s4;
	s4 =	smov.u32 s31;
	[dreg:$0x6] =	wrdreg s26;
	v63 =	vmin.f32 v12, v60;
	v49 =	vmul.f32 v61, v51;
	v16 =	vsel vm6, v53, v16  }
0x179: {  	v45 =	vld [tilespmem:s24+$0xF000];
	s31 =	smov.u32 s12;
	[tilespmem:s25+$0x10] =	vst v53;
	s25 =	rddreg [dreg:$0x7];
	v19 =	vsel vm6, s9, v19;
	s9 =	sadd.s32 $0x1, s26;
	v47 =	vmax.f32 v47, $0.0e+00;
	v62 =	vpop (erf);
	(erf) = vrcp.f32 v42  }
0x17a: {  	s8 =	smov.u32 s25;
	s26 =	smov.u32 s5;
	v48 =	vld [tilespmem:s24+$0x5000];
	s24 =	smov.u32 s6;
	v32 =	vsel vm7, s9, v32;
	v42 =	vmul.f32 v47, v46;
	v46 =	vsub.f32 v60, v56  }
0x17b: {  	s25 =	smov.u32 s7;
	[dreg:$0x7] =	wrdreg s26;
	s26 =	smov.u32 s11;
	v49 =	vadd.f32 v49, v15;
	v47 =	vsub.f32 v63, v58;
	v44 =	vmul.f32 v62, v44  }
0x17c: {  	v50 =	vld [tilespmem:s4+$0xFFFFFFE0];
	_ =	sdelay $0x1  }
0x17d: {  	vm6 =	vgt.f32 v40, $4.499999880e-01;
	vm7 =	veq.s32 v39, v14  }
0x17e: {  	vm6 =	vmor vm7, vm6  }
0x17f: {  	s5 =	sadd.s32 $0x10, s3;
	vm6 =	vmand vm5, vm6  }
0x180: {  	s9 =	sand.u32 $0xFF80, s14;
	s5 =	sand.u32 $0x50, s5;
	v39 =	vsel vm6, $0xBF800000, v50  }
0x181: {  	v53 =	vld [tilespmem:s29+$0xFFFFFFF0];
	v54 =	vsub.f32 v49, v42;
	s5 =	sor.u32 s5, s9;
	[tilespmem:s4+$0xFFFFFFE0] =	vst v39  }
0x182: {  	v51 =	vmin.f32 v13, v45;
	v62 =	vmax.f32 v11, v48;
	v63 =	vsub.f32 v45, v48;
	v52 =	vpop (erf);
	v55 =	vld [tilespmem:s5+$0x5000]  }
0x183: {  	v40 =	vsub.f32 v51, v62;
	v43 =	vmul.f32 v52, v43;
	v56 =	vld [tilespmem:s5+$0xF000]  }
0x184: {  	v47 =	vmax.f32 v47, $0.0e+00;
	v49 =	vadd.f32 $1.000000010e-07, v54;
	v45 =	vmul.f32 v63, v46;
	v58 =	vld [tilespmem:s5+$0x0]  }
0x185: {  	vm6 =	veq.s32 v36, v14;
	v40 =	vmax.f32 v40, $0.0e+00;
	v59 =	vld [tilespmem:s5+$0xA000];
	vm7 =	vgt.f32 v43, $4.499999880e-01  }
0x186: {  	v57 =	vadd.f32 v45, v15;
	v43 =	vmul.f32 v40, v47;
	vm6 =	vmor vm6, vm7  }
0x187: {  	(erf) = vrcp.f32 v49;
	vm6 =	vmand vm5, vm6  }
0x188: {  	s6 =	sadd.s32 $0x20, s10;
	v60 =	vld [tilespmem:s26+$0x0];
	vm7 =	veq.s32 v33, v14;
	v40 =	vsub.f32 v57, v43;
	v36 =	vsel vm6, $0xBF800000, v53  }
0x189: {  	s5 =	sand.u32 $0x60, s6;
	v61 =	vmax.f32 v11, v55;
	vm6 =	vgt.f32 v41, $4.499999880e-01;
	v62 =	vmin.f32 v13, v56  }
0x18a: {  	s5 =	sor.u32 s5, s19;
	v46 =	vsub.f32 v56, v55;
	v57 =	vsub.f32 v59, v58;
	v47 =	vmin.f32 v12, v59;
	v53 =	vld [tilespmem:s31+$0xFFFFFFE0];
	[tilespmem:s29+$0xFFFFFFF0] =	vst v36  }
0x18b: {  	v45 =	vmax.f32 v10, v58;
	v49 =	vadd.f32 $1.000000010e-07, v40;
	vm6 =	vmor vm7, vm6;
	v51 =	vld [tilespmem:s5+$0x0]  }
0x18c: {  	v33 =	vsub.f32 v62, v61;
	v45 =	vsub.f32 v47, v45;
	v63 =	vld [tilespmem:s5+$0xA000];
	vm6 =	vmand vm5, vm6;
	s6 =	rddreg [dreg:$0x4]  }
0x18d: {  	vm7 =	veq.s32 v38, v14;
	v52 =	vld [tilespmem:s5+$0x5000];
	v46 =	vmul.f32 v46, v57;
	s7 =	sadd.s32 $0x30, s6;
	v40 =	vsel vm6, $0xBF800000, v60  }
0x18e: {  	v54 =	vld [tilespmem:s5+$0xF000];
	vm6 =	vgt.f32 v44, $4.499999880e-01;
	v45 =	vmax.f32 v45, $0.0e+00;
	v33 =	vmax.f32 v33, $0.0e+00;
	s9 =	sand.u32 $0x70, s7  }
0x18f: {  	[tilespmem:s26+$0x0] =	vst v40;
	vm6 =	vmor vm7, vm6;
	v45 =	vmul.f32 v33, v45;
	v46 =	vadd.f32 v46, v15;
	s5 =	sor.u32 s9, s17  }
0x190: {  	vm6 =	vmand vm5, vm6;
	v60 =	vld [tilespmem:s5+$0x0]  }
0x191: {  	s11 =	sadd.s32 $0x10, s30;
	v48 =	vld [tilespmem:s5+$0xF000];
	v33 =	vsel vm6, $0xBF800000, v53;
	v46 =	vsub.f32 v46, v45  }
0x192: {  	s12 =	sand.u32 $0xFF80, s18;
	s9 =	sand.u32 $0x50, s11;
	v61 =	vld [tilespmem:s5+$0xA000];
	v58 =	vmax.f32 v10, v51;
	v59 =	vmin.f32 v12, v63;
	v62 =	vmax.f32 v11, v52  }
0x193: {  	v53 =	vld [tilespmem:s5+$0x5000];
	s12 =	sor.u32 s9, s12;
	v55 =	vmin.f32 v13, v54;
	[tilespmem:s31+$0xFFFFFFE0] =	vst v33;
	v41 =	vsub.f32 v63, v51;
	v52 =	vsub.f32 v54, v52  }
0x194: {  	(erf) = vrcp.f32 v49;
	v38 =	vsub.f32 v59, v58;
	v44 =	vsub.f32 v55, v62;
	v49 =	vld [tilespmem:s12+$0x5000]  }
0x195: {  	v57 =	vld [tilespmem:s12+$0xF000];
	v46 =	vadd.f32 $1.000000010e-07, v46  }
0x196: {  	v59 =	vld [tilespmem:s12+$0xA000];
	v41 =	vmul.f32 v52, v41;
	v38 =	vmax.f32 v38, $0.0e+00;
	v44 =	vmax.f32 v44, $0.0e+00  }
0x197: {  	v55 =	vld [tilespmem:s12+$0x0];
	(erf) = vrcp.f32 v46;
	v63 =	vmax.f32 v10, v60;
	v58 =	vmin.f32 v12, v61  }
0x198: {  	v47 =	vsub.f32 v61, v60;
	v61 =	vsub.f32 v48, v53;
	v44 =	vmul.f32 v44, v38  }
0x199: {  	v62 =	vmax.f32 v11, v53;
	v48 =	vmin.f32 v13, v48;
	v60 =	vsub.f32 v58, v63  }
0x19a: {  	v38 =	vsub.f32 v48, v62;
	v47 =	vmul.f32 v61, v47;
	v63 =	vmax.f32 v11, v49  }
0x19b: {  	v56 =	vmin.f32 v13, v57;
	v49 =	vsub.f32 v57, v49;
	v57 =	vmin.f32 v12, v59  }
0x19c: {  	v50 =	vsub.f32 v59, v55;
	v58 =	vmax.f32 v10, v55;
	v46 =	vmax.f32 v60, $0.0e+00  }
0x19d: {  	v38 =	vmax.f32 v38, $0.0e+00;
	v48 =	vsub.f32 v56, v63;
	v59 =	vsub.f32 v57, v58  }
0x19e: {  	v60 =	vadd.f32 v41, v15;
	v41 =	vmul.f32 v38, v46;
	v61 =	vmul.f32 v49, v50  }
0x19f: {  	v62 =	vadd.f32 v47, v15;
	v63 =	vmax.f32 v59, $0.0e+00;
	v48 =	vmax.f32 v48, $0.0e+00  }
0x1a0: {  	v52 =	vsub.f32 v60, v44;
	v47 =	vmul.f32 v48, v63;
	v38 =	vadd.f32 v61, v15  }
0x1a1: {  	v46 =	vsub.f32 v62, v41  }
0x1a2: {  	v53 =	vadd.f32 $1.000000010e-07, v52;
	v38 =	vsub.f32 v38, v47  }
0x1a3: {  	v46 =	vadd.f32 $1.000000010e-07, v46  }
0x1a4: {  	v54 =	vpop (erf);
	(erf) = vrcp.f32 v53;
	v38 =	vadd.f32 $1.000000010e-07, v38  }
0x1a5: {  	v50 =	vpop (erf);
	(erf) = vrcp.f32 v46  }
0x1a6: {  	v55 =	vpop (erf);
	(erf) = vrcp.f32 v38  }
0x1a7: {  	v56 =	vld [tilespmem:s4+$0xFFFFFFF0];
	v45 =	vmul.f32 v55, v45;
	_ =	sdelay $0x1  }
0x1a8: {  	vm6 =	veq.s32 v35, v14;
	vm7 =	vgt.f32 v45, $4.499999880e-01  }
0x1a9: {  	vm6 =	vmor vm6, vm7  }
0x1aa: {  	s14 =	sadd.s32 $0x20, s3;
	v57 =	vmul.f32 v54, v42;
	v58 =	vld [tilespmem:s28+$0x0];
	vm6 =	vmand vm5, vm6  }
0x1ab: {  	s5 =	sand.u32 $0x60, s14;
	v35 =	vsel vm6, $0xBF800000, v56  }
0x1ac: {  	s5 =	sor.u32 s5, s15;
	v60 =	vld [tilespmem:s31+$0xFFFFFFF0];
	vm7 =	veq.s32 v27, v14;
	vm6 =	vgt.f32 v57, $4.499999880e-01;
	[tilespmem:s4+$0xFFFFFFF0] =	vst v35;
	v48 =	vpop (erf)  }
0x1ad: {  	vm6 =	vmor vm7, vm6;
	v46 =	vld [tilespmem:s5+$0x0];
	s17 =	rddreg [dreg:$0x3];
	v42 =	vpop (erf)  }
0x1ae: {  	v49 =	vld [tilespmem:s5+$0xA000];
	vm6 =	vmand vm5, vm6;
	s18 =	sadd.s32 $0x30, s17;
	v59 =	vpop (erf)  }
0x1af: {  	v51 =	vld [tilespmem:s5+$0x5000];
	v38 =	vsel vm6, $0xBF800000, v58;
	s19 =	sand.u32 $0x70, s18;
	v27 =	vmul.f32 v59, v47  }
0x1b0: {  	v61 =	vld [tilespmem:s5+$0xF000];
	[tilespmem:s28+$0x0] =	vst v38;
	s0 =	sor.u32 s19, s0  }
0x1b1: {  	vm6 =	veq.s32 v37, v14;
	v37 =	vld [tilespmem:s0+$0x0];
	vm7 =	vgt.f32 v27, $4.499999880e-01  }
0x1b2: {  	v54 =	vld [tilespmem:s0+$0xA000];
	vm6 =	vmor vm6, vm7  }
0x1b3: {  	s22 =	sadd.s32 $0x20, s30;
	v52 =	vld [tilespmem:s0+$0x5000];
	v62 =	vmax.f32 v10, v46;
	v63 =	vmin.f32 v12, v49;
	vm6 =	vmand vm5, vm6  }
0x1b4: {  	s5 =	sand.u32 $0x60, s22;
	v56 =	vmax.f32 v11, v51;
	v46 =	vsub.f32 v49, v46;
	v27 =	vsel vm6, $0xBF800000, v60  }
0x1b5: {  	s23 =	sor.u32 s5, s13;
	v45 =	vld [tilespmem:s0+$0xF000];
	v57 =	vmin.f32 v13, v61;
	v53 =	vsub.f32 v63, v62;
	v47 =	vsub.f32 v61, v51;
	[tilespmem:s31+$0xFFFFFFF0] =	vst v27  }
0x1b6: {  	v44 =	vmul.f32 v48, v44;
	v60 =	vsub.f32 v57, v56;
	v56 =	vld [tilespmem:s23+$0x0]  }
0x1b7: {  	v62 =	vmax.f32 v53, $0.0e+00;
	v46 =	vmul.f32 v47, v46;
	v61 =	vmax.f32 v10, v37;
	v48 =	vld [tilespmem:s23+$0xA000]  }
0x1b8: {  	v58 =	vmin.f32 v12, v54;
	v37 =	vsub.f32 v54, v37;
	v59 =	vmax.f32 v11, v52;
	v55 =	vld [tilespmem:s23+$0x5000]  }
0x1b9: {  	v47 =	vsub.f32 v58, v61;
	v46 =	vadd.f32 v46, v15;
	v63 =	vmax.f32 v60, $0.0e+00;
	v57 =	vld [tilespmem:s23+$0xF000]  }
0x1ba: {  	v60 =	vmin.f32 v13, v45;
	v45 =	vsub.f32 v45, v52;
	v51 =	vmul.f32 v63, v62  }
0x1bb: {  	vm7 =	veq.s32 v26, v14;
	v49 =	vsub.f32 v60, v59;
	v60 =	vmax.f32 v47, $0.0e+00  }
0x1bc: {  	v45 =	vmul.f32 v45, v37;
	v46 =	vsub.f32 v46, v51;
	v61 =	vmax.f32 v10, v56  }
0x1bd: {  	v62 =	vsub.f32 v48, v56;
	v48 =	vmin.f32 v12, v48;
	v63 =	vmax.f32 v11, v55  }
0x1be: {  	v58 =	vsub.f32 v57, v55;
	v59 =	vmin.f32 v13, v57;
	v46 =	vadd.f32 $1.000000010e-07, v46  }
0x1bf: {  	v48 =	vsub.f32 v48, v61;
	v54 =	vsub.f32 v59, v63;
	v61 =	vmax.f32 v49, $0.0e+00  }
0x1c0: {  	v45 =	vadd.f32 v45, v15;
	v63 =	vld [tilespmem:s29+$0x0];
	v37 =	vmul.f32 v61, v60;
	v62 =	vmul.f32 v58, v62  }
0x1c1: {  	(erf) = vrcp.f32 v46;
	v48 =	vmax.f32 v48, $0.0e+00;
	v56 =	vmax.f32 v54, $0.0e+00  }
0x1c2: {  	vm6 =	vgt.f32 v44, $4.499999880e-01;
	v48 =	vmul.f32 v56, v48;
	v47 =	vadd.f32 v62, v15  }
0x1c3: {  	vm6 =	vmor vm7, vm6;
	v45 =	vsub.f32 v45, v37  }
0x1c4: {  	s1 =	sadd.s32 $0x30, s10;
	vm6 =	vmand vm5, vm6;
	v57 =	vsub.f32 v47, v48  }
0x1c5: {  	s0 =	sand.u32 $0x70, s1;
	v45 =	vadd.f32 $1.000000010e-07, v45;
	v26 =	vsel vm6, $0xBF800000, v63  }
0x1c6: {  	s0 =	sor.u32 s0, s21;
	[tilespmem:s29+$0x0] =	vst v26;
	v44 =	vadd.f32 $1.000000010e-07, v57  }
0x1c7: {  	(erf) = vrcp.f32 v45;
	v58 =	vld [tilespmem:s0+$0x0]  }
0x1c8: {  	v59 =	vld [tilespmem:s0+$0xA000];
	(erf) = vrcp.f32 v44  }
0x1c9: {  	v46 =	vld [tilespmem:s0+$0x5000]  }
0x1ca: {  	v60 =	vld [tilespmem:s0+$0xF000];
	v62 =	vpop (erf)  }
0x1cb: {  	v55 =	vld [tilespmem:s4+$0x0];
	v61 =	vmul.f32 v50, v43;
	v43 =	vmul.f32 v62, v51  }
0x1cc: {  	vm9 =	veq.s32 v28, v14  }
0x1cd: {  	v63 =	vmax.f32 v10, v58;
	v54 =	vmin.f32 v12, v59;
	vm8 =	vgt.f32 v43, $4.499999880e-01  }
0x1ce: {  	v56 =	vsub.f32 v59, v58;
	v58 =	vmax.f32 v11, v46;
	vm8 =	vmor vm9, vm8  }
0x1cf: {  	s5 =	sadd.s32 $0x30, s3;
	v59 =	vmin.f32 v13, v60;
	v60 =	vsub.f32 v60, v46;
	vm8 =	vmand vm5, vm8  }
0x1d0: {  	v52 =	vld [tilespmem:s25+$0x10];
	s0 =	sand.u32 $0x70, s5;
	v57 =	vsub.f32 v54, v63;
	v62 =	vsub.f32 v59, v58;
	v45 =	vpop (erf);
	v28 =	vsel vm8, $0xBF800000, v55  }
0x1d1: {  	vm7 =	vgt.f32 v61, $4.499999880e-01;
	vm6 =	veq.s32 v22, v14;
	s0 =	sor.u32 s0, s20;
	v63 =	vld [tilespmem:s31+$0x0];
	v22 =	vmul.f32 v60, v56;
	[tilespmem:s4+$0x0] =	vst v28;
	v61 =	vpop (erf)  }
0x1d2: {  	v44 =	vmax.f32 v57, $0.0e+00;
	v53 =	vmax.f32 v62, $0.0e+00;
	v54 =	vld [tilespmem:s0+$0x0];
	v46 =	vmul.f32 v61, v48  }
0x1d3: {  	vm15 =	veq.s32 v29, v14;
	v43 =	vmul.f32 v53, v44;
	v22 =	vadd.f32 v22, v15;
	v55 =	vld [tilespmem:s0+$0xA000]  }
0x1d4: {  	vm12 =	veq.s32 v20, v14;
	vm6 =	vmor vm6, vm7;
	v57 =	vld [tilespmem:s0+$0xF000];
	vm14 =	vgt.f32 v46, $4.499999880e-01  }
0x1d5: {  	vm6 =	vmand vm5, vm6;
	v56 =	vsub.f32 v22, v43;
	v58 =	vld [tilespmem:s0+$0x5000];
	vm8 =	vmor vm15, vm14  }
0x1d6: {  	s6 =	sadd.s32 $0x30, s30;
	v37 =	vmul.f32 v45, v37;
	v22 =	vsel vm6, $0xBF800000, v52;
	vm7 =	vmand vm5, vm8  }
0x1d7: {  	s2 =	sadd.s32 $0x3, s2;
	s5 =	sand.u32 $0x70, s6;
	s7 =	rddreg [dreg:$0x8];
	vm6 =	vgt.f32 v22, v16;
	v47 =	vadd.f32 $1.000000010e-07, v56;
	v29 =	vsel vm7, $0xBF800000, v63  }
0x1d8: {  	s1 =	rddreg [dreg:$0x5];
	s0 =	sor.u32 s5, s7;
	vm11 =	vgt.f32 v37, $4.499999880e-01;
	v19 =	vsel vm6, s2, v19;
	v16 =	vsel vm6, v22, v16;
	[tilespmem:s31+$0x0] =	vst v29  }
0x1d9: {  	(erf) = vrcp.f32 v47;
	v61 =	vmax.f32 v10, v54;
	v62 =	vmin.f32 v12, v55;
	v59 =	vld [tilespmem:s0+$0x0]  }
0x1da: {  	v44 =	vsub.f32 v55, v54;
	v54 =	vmax.f32 v11, v58;
	v50 =	vmin.f32 v13, v57;
	v60 =	vld [tilespmem:s0+$0xA000]  }
0x1db: {  	s9 =	sadd.s32 $0x2, s1;
	v48 =	vsub.f32 v57, v58;
	vm7 =	vgt.f32 v40, v31;
	v55 =	vsub.f32 v50, v54;
	v63 =	vld [tilespmem:s0+$0xF000]  }
0x1dc: {  	v34 =	vsel vm7, s9, v34;
	v31 =	vsel vm7, v40, v31;
	v40 =	vmul.f32 v42, v41;
	v53 =	vld [tilespmem:s0+$0x5000]  }
0x1dd: {  	s10 =	sadd.s32 $0x1, s16;
	vm7 =	vgt.f32 v36, v30;
	v42 =	vsub.f32 v62, v61;
	v44 =	vmul.f32 v48, v44  }
0x1de: {  	vm15 =	veq.s32 v17, v14;
	v32 =	vsel vm7, s10, v32;
	vm13 =	vgt.f32 v38, v31  }
0x1df: {  	v20 =	vmax.f32 v55, $0.0e+00;
	v42 =	vmax.f32 v42, $0.0e+00;
	v61 =	vadd.f32 v44, v15  }
0x1e0: {  	v56 =	vmax.f32 v10, v59;
	v57 =	vmin.f32 v12, v60;
	v41 =	vsub.f32 v60, v59  }
0x1e1: {  	v58 =	vmax.f32 v11, v53;
	v46 =	vsub.f32 v63, v53;
	v59 =	vmin.f32 v13, v63  }
0x1e2: {  	v20 =	vmul.f32 v20, v42;
	v47 =	vsub.f32 v57, v56;
	v48 =	vsub.f32 v59, v58  }
0x1e3: {  	v30 =	vsel vm7, v36, v30;
	vm10 =	vgt.f32 v40, $4.499999880e-01;
	v41 =	vmul.f32 v46, v41  }
0x1e4: {  	s11 =	rddreg [dreg:$0x6];
	v42 =	vsub.f32 v61, v20;
	v62 =	vmax.f32 v47, $0.0e+00;
	v63 =	vmax.f32 v48, $0.0e+00  }
0x1e5: {  	s12 =	sadd.s32 $0x2, s11;
	vm6 =	vgt.f32 v35, v30;
	v40 =	vmul.f32 v63, v62;
	v15 =	vadd.f32 v41, v15  }
0x1e6: {  	s14 =	sadd.s32 $0x1, s8;
	v51 =	vld [tilespmem:s28+$0x10];
	v31 =	vsel vm13, v38, v31;
	v34 =	vsel vm13, s12, v34;
	v48 =	vadd.f32 $1.000000010e-07, v42  }
0x1e7: {  	vm7 =	vmor vm12, vm10;
	v32 =	vsel vm6, s14, v32;
	v60 =	vld [tilespmem:s26+$0x10];
	v15 =	vsub.f32 v15, v40  }
0x1e8: {  	vm9 =	vgt.f32 v26, v31;
	vm10 =	vmor vm15, vm11;
	(erf) = vrcp.f32 v48  }
0x1e9: {  	v30 =	vsel vm6, v35, v30;
	vm12 =	veq.s32 v18, v14;
	v15 =	vadd.f32 $1.000000010e-07, v15  }
0x1ea: {  	s18 =	rddreg [dreg:$0x7];
	vm7 =	vmand vm5, vm7;
	vm6 =	vmand vm5, vm10;
	v54 =	vsel vm9, v26, v31  }
0x1eb: {  	s19 =	sadd.s32 $0x1, s18;
	v53 =	vsel vm6, $0xBF800000, v51;
	vm6 =	vgt.f32 v27, v30;
	(erf) = vrcp.f32 v15  }
0x1ec: {  	s15 =	sadd.s32 $0x2, s16;
	v52 =	vpop (erf);
	v55 =	vsel vm6, s19, v32;
	v50 =	vsel vm7, $0xBF800000, v60;
	vm7 =	vgt.f32 v39, v23  }
0x1ed: {  	v17 =	vld [tilespmem:s29+$0x10];
	vm14 =	vgt.f32 v50, v16;
	v15 =	vsel vm9, s15, v34;
	v34 =	vmul.f32 v52, v43  }
0x1ee: {  	s13 =	sadd.s32 $0x3, s1;
	v62 =	vsel vm6, v27, v30;
	v23 =	vsel vm7, v39, v23;
	v16 =	vsel vm14, v50, v16  }
0x1ef: {  	s17 =	sadd.s32 $0x3, s11;
	v19 =	vsel vm14, s13, v19;
	vm14 =	vgt.f32 v53, v16;
	vm13 =	vgt.f32 v34, $4.499999880e-01  }
0x1f0: {  	v24 =	vsel vm7, s8, v24;
	v19 =	vsel vm14, s17, v19;
	vm8 =	vmor vm12, vm13  }
0x1f1: {  	v16 =	vsel vm14, v53, v16;
	vm14 =	veq.s32 v25, v14;
	vm8 =	vmand vm5, vm8;
	v56 =	vpop (erf)  }
0x1f2: {  	s20 =	sadd.s32 $0x2, s8;
	v57 =	vld [tilespmem:s4+$0x10];
	v17 =	vsel vm8, $0xBF800000, v17;
	vm8 =	vgt.f32 v28, v54;
	v20 =	vmul.f32 v56, v20  }
0x1f3: {  	s21 =	sadd.s32 $0x3, s16;
	vm12 =	veq.s32 v21, v14;
	vm15 =	vgt.f32 v17, v16;
	v15 =	vsel vm8, s20, v15  }
0x1f4: {  	v18 =	vsel vm8, v28, v54;
	v19 =	vsel vm15, s21, v19;
	vm13 =	vgt.f32 v20, $4.499999880e-01;
	v58 =	vpop (erf)  }
0x1f5: {  	v59 =	vld [tilespmem:s31+$0x10];
	vm7 =	vmor vm12, vm13;
	vm12 =	vgt.f32 v33, v23;
	v60 =	vmul.f32 v58, v40  }
0x1f6: {  	v16 =	vsel vm15, v17, v16;
	vm7 =	vmand vm5, vm7;
	v61 =	vsel vm12, s18, v24  }
0x1f7: {  	v23 =	vsel vm12, v33, v23;
	v14 =	vsel vm7, $0xBF800000, v57;
	vm15 =	vgt.f32 v60, $4.499999880e-01  }
0x1f8: {  	s22 =	sadd.s32 $0x3, s8;
	vm6 =	vgt.f32 v62, v23;
	vm13 =	vgt.f32 v14, v16;
	vm7 =	vmor vm14, vm15  }
0x1f9: {  	v16 =	vsel vm13, v14, v16;
	v19 =	vsel vm13, s22, v19;
	vm7 =	vmand vm5, vm7  }
0x1fa: {  	s23 =	sadd.s32 $0x2, s18;
	vm15 =	vlt.s32 v55, v61;
	v20 =	vsel vm7, $0xBF800000, v59;
	vm7 =	vgt.f32 v29, v18  }
0x1fb: {  	s30 =	sadd.s32 $0x3, s18;
	vm14 =	vgt.f32 v20, v16;
	v15 =	vsel vm7, s23, v15;
	v18 =	vsel vm7, v29, v18  }
0x1fc: {  	vm7 =	veq.f32 v62, v23;
	v19 =	vsel vm14, s30, v19;
	v16 =	vsel vm14, v20, v16  }
0x1fd: {  	vm7 =	vmand vm7, vm15;
	vm12 =	veq.f32 v16, v18;
	vm13 =	vlt.s32 v19, v15  }
0x1fe: {  	vm6 =	vmor vm6, vm7;
	vm14 =	vgt.f32 v16, v18;
	vm7 =	vmand vm12, vm13  }
0x1ff: {  	[tilespmem:s25+$0x10] =	vst v22;
	v63 =	vsel vm6, v62, v23;
	vm7 =	vmor vm14, vm7  }
.Ltmp8:
0x200: {  	[tilespmem:s28+$0x10] =	vst v53;
	v21 =	vsel vm6, v55, v61;
	v16 =	vsel vm7, v16, v18;
	v15 =	vsel vm7, v19, v15;
	(pc) =	sbr.rel @!p0 .LBB2_11-.Ltmp8, $4  }
0x201: {  	[tilespmem:s26+$0x10] =	vst v50;
	vm6 =	veq.f32 v16, v63;
	vm7 =	vlt.s32 v15, v21  }
0x202: {  	[tilespmem:s29+$0x10] =	vst v17;
	vm15 =	vgt.f32 v16, v63;
	vm6 =	vmand vm6, vm7  }
0x203: {  	[tilespmem:s4+$0x10] =	vst v14;
	vm6 =	vmor vm15, vm6  }
0x204: {  	[tilespmem:s31+$0x10] =	vst v20;
	v14 =	vsel vm6, v16, v63;
	v15 =	vsel vm6, v15, v21  }
0x205: {  	s1 =	rddreg [dreg:$0x12]  }
0x206: {  	s1 =	sadd.s32 $0x1, s1  }
0x207: {  	p1 =	seq.s32 s1, $0x12C  }
.Ltmp9:
0x208: {  	_ = 	snop;
	(pc) =	sbr.rel @!p1 .LBB2_8-.Ltmp9, $4  }
.Ltmp10:
0x209: {  	_ = 	snop;
	(pc) =	sbr.rel @p1 .LBB2_13-.Ltmp10, $4  }
0x20a: {  	_ = 	snop  }
0x20b: {  	_ = 	snop  }
0x20c: {  	_ = 	snop  }
0x20d: {  	_ = 	snop  }
.LBB2_14:
0x20e: {  	_ =	sfence.sel $0x180000  }
0x20f: {  	[bflag:$0x0] =	sbarrier.arrive $0xFFFF  }
0x210: {  	_ =	strace $0x90000047  }
0x211: {  	s0 =	stileid.u32;
	[bflag:$0x2] =	sbarrier.arrive $0xFFFF  }
0x212: {  	p0 =	sne.s32 s0, $0x0;
	s0 =	rddreg [dreg:$0x2]  }
0x213: {  	s0 =	sadd.s32 @!p0 $0x100000, s0  }
0x214: {  	[sflag:s0] =	ssyncadd.tile.s32 @!p0 $0x1;
	_ =	shalt  }
.Lfunc_end2:
_tile_overlayer_lowered:
.L_overlay_start_2:
0x215: {  	(tag) =	ssettag $0x2  }
0x216: {  	s0 =	rddreg [dreg:$0x0];
	s2 =	stileid.u32  }
0x217: {  	s1 =	rddreg [dreg:$0x1];
	p0 =	sne.s32 s2, $0x0  }
0x218: {  	s3 =	rddreg [dreg:$0x2];
	[bflag:$0x3] =	sbarrier.arrive $0xFFFF;
	s2 =	simm.s32 @!p0 $0x1C01  }
0x219: {  	[timem:s3], [sflag:s2] =	dma.local @!p0 [hbm:s0], s1  }
0x21a: {  	s0 =	simm.s32 @!p0 $0x1  }
0x21b: {  	_ =	swait.ge @!p0 [sflag:s0], s1  }
0x21c: {  	s1 =	ssub.s32 @!p0 $0x0, s1;
	[sflag:s0] =	ssyncset.done @!p0 $0x0  }
0x21d: {  	[sflag:s0] =	ssyncadd.s32 @!p0 s1  }
0x21e: {  	[bflag:$0x3] =	sbarrier.arrive $0xFFFF  }
0x21f: {  	_ =	shalt  }

</sc_bundles>
